<compile_context>
chip_gen: v7x
topology: tpu7x:2x2x1
jax: 0.10.2.dev20260603
libtpu: 0.0.44.dev20260713+nightly
codegen_flags: <defaults>
</compile_context>

<pallas_src>
import functools

import jax
import jax.numpy as jnp
from jax import lax
from jax.experimental import pallas as pl
from jax.experimental.pallas import tpu as pltpu
from jax.experimental.pallas import tpu_sc as plsc

_E = 8
_B = 4096
_C = 2
_NN = 100000
_NE = 1600000
_TRAIN_AFTER = 10
_ALPHA = 1.5
_W_CE, _W_REG, _W_SEM, _W_STR, _W_DIV, _W_LOAD = 1.0, 0.5, 0.5, 0.5, 0.1, 0.01

_NE_SC = 512000
_NE_TC = _NE - _NE_SC

_CHUNK = 108800
_NSTEP = _NE_TC // _CHUNK
_ITERS_PER_STEP = 4
_G1, _G2 = 8, 512

_NC, _NS, _L = 2, 16, 16
_NW = _NC * _NS
_SC_PERW = _NE_SC // _NW
_SC_CH = 3200
_SC_NCHUNK = _SC_PERW // _SC_CH
_PAIRS = [(a, b) for a in range(_E) for b in range(a, _E)]



def _sc_body(edge_ref, out_ref, buf, av, sem):
    wid = lax.axis_index("s") * _NC + lax.axis_index("c")
    base = _NE_TC + wid * _SC_PERW

    def chunk_body(j, acc):
        off = base + j * _SC_CH
        pltpu.async_copy(edge_ref.at[:, pl.ds(off, _SC_CH)], buf, sem).wait()

        def group(k, acc):
            vs = [buf[e, pl.ds(k * _L, _L)] for e in range(_E)]
            return tuple(acc[p] + vs[a] * vs[b]
                         for p, (a, b) in enumerate(_PAIRS))

        return lax.fori_loop(0, _SC_CH // _L, group, acc)

    acc0 = tuple(jnp.zeros((_L,), jnp.float32) for _ in _PAIRS)
    acc = lax.fori_loop(0, _SC_NCHUNK, chunk_body, acc0)

    for p, (a, b) in enumerate(_PAIRS):
        av[a, pl.ds(b * _L, _L)] = acc[p]
        if a != b:
            av[b, pl.ds(a * _L, _L)] = acc[p]
    pltpu.sync_copy(av, out_ref.at[wid])


_sc_gram = functools.partial(
    pl.kernel,
    out_type=jax.ShapeDtypeStruct((_NW, _E, _E * _L), jnp.float32),
    mesh=plsc.VectorSubcoreMesh(core_axis_name="c", subcore_axis_name="s"),
    scratch_types=[
        pltpu.VMEM((_E, _SC_CH), jnp.float32),
        pltpu.VMEM((_E, _E * _L), jnp.float32),
        pltpu.SemaphoreType.DMA,
    ],
)(_sc_body)



def _sqp(z):
    zc = jnp.maximum(z, 0.0)
    return zc * zc


def _offdiag_mean_from_gram(G):
    K = G.shape[0]
    eye = (lax.broadcasted_iota(jnp.int32, (K, K), 0)
           == lax.broadcasted_iota(jnp.int32, (K, K), 1))
    eyef = eye.astype(jnp.float32)
    diag_row = jnp.sum(G * eyef, axis=0, keepdims=True)
    ninv_row = 1.0 / jnp.maximum(jnp.sqrt(diag_row), 1e-12)
    ninv_col = jnp.sum(eyef * ninv_row, axis=1, keepdims=True)
    S = G * ninv_col * ninv_row
    full = jnp.sum(S)
    diag = jnp.sum(S * eyef)
    return (full - diag) / (K * (K - 1))


def _tc_body(flag_ref, gate_ref, el0_ref, el1_ref, node_ref, y_ref,
             reg_ref, sem_ref, str_ref, edge_ref,
             agg_ref, misc_ref, gtc_ref, acc_ref, xs_ref, st_ref, sm_ref):
    i = pl.program_id(0)

    @pl.when(i == 0)
    def _init_acc():
        acc_ref[:, :] = jnp.zeros((_E, _E), jnp.float32)

    x = edge_ref[:, :]
    acc_ref[:, :] += lax.dot_general(
        x, x, (((1,), (1,)), ((), ())), preferred_element_type=jnp.float32)

    @pl.when(i == 0)
    def _init():
        nm = node_ref[:, :]
        Gn = lax.dot_general(nm, nm, (((1,), (1,)), ((), ())),
                             preferred_element_type=jnp.float32)
        sm_ref[0] = _offdiag_mean_from_gram(Gn)

        gate = gate_ref[:, :, :]
        uniform = jnp.full((_E, _G1, _G2), 1.0 / _E, jnp.float32)
        gw0 = jnp.where(flag_ref[0] > 0.0, uniform, gate)
        Xs = gw0 * (_ALPHA - 1.0)
        xs_ref[:, :, :] = Xs
        max_val = jnp.max(Xs, axis=0, keepdims=True)
        tau_lo = max_val - 1.0
        tau_hi = max_val - (1.0 / _E) ** (_ALPHA - 1.0)
        f_lo = jnp.sum(_sqp(Xs - tau_lo), axis=0, keepdims=True) - 1.0
        st_ref[0:1] = tau_lo
        st_ref[1:2] = tau_hi - tau_lo
        st_ref[2:3] = tau_lo
        st_ref[3:4] = f_lo

    @pl.when(i > 0)
    def _bisect():
        Xs = xs_ref[:, :, :]
        tau_lo = st_ref[0:1]
        dm = st_ref[1:2]
        f_lo = st_ref[3:4]
        tau_m = tau_lo
        for _ in range(_ITERS_PER_STEP):
            dm = dm / 2.0
            tau_m = tau_lo + dm
            p_m = _sqp(Xs - tau_m)
            f_m = jnp.sum(p_m, axis=0, keepdims=True) - 1.0
            tau_lo = jnp.where((f_m * f_lo) >= 0, tau_m, tau_lo)
        st_ref[0:1] = tau_lo
        st_ref[1:2] = dm
        st_ref[2:3] = tau_m

    @pl.when(i == _NSTEP - 1)
    def _final():
        Xs = xs_ref[:, :, :]
        p_m = _sqp(Xs - st_ref[2:3])
        gw = p_m / jnp.sum(p_m, axis=0, keepdims=True)

        agg0 = jnp.sum(el0_ref[:, :, :] * gw, axis=0, keepdims=True)
        agg1 = jnp.sum(el1_ref[:, :, :] * gw, axis=0, keepdims=True)
        agg_ref[0:1] = agg0
        agg_ref[1:2] = agg1

        yf = y_ref[:, :, :].astype(jnp.float32)
        c1 = jnp.sum(yf)
        c0 = jnp.float32(_B) - c1
        c0 = jnp.where(c0 == 0.0, 1.0, c0)
        c1 = jnp.where(c1 == 0.0, 1.0, c1)
        w0 = 1.0 / c0
        w1 = 1.0 / c1
        wsum = w0 + w1
        w0 = w0 / wsum
        w1 = w1 / wsum
        m = jnp.maximum(agg0, agg1)
        lse = m + jnp.log(jnp.exp(agg0 - m) + jnp.exp(agg1 - m))
        logp0 = agg0 - lse
        logp1 = agg1 - lse
        is0 = y_ref[:, :, :] == 0
        nll = -jnp.where(is0, logp0, logp1)
        wi = jnp.where(is0, w0, w1)
        ce = jnp.sum(wi * nll) / jnp.sum(wi)

        w_first = gw[:, 0:1, 0:1]
        reg = jnp.sum(w_first * reg_ref[:, :, :])
        sem = jnp.sum(w_first * sem_ref[:, :, :])
        strv = jnp.sum(w_first * str_ref[:, :, :])

        s2 = jnp.sum(gw, axis=2, keepdims=True)
        avg = jnp.sum(s2, axis=1, keepdims=True) / jnp.float32(_B)
        u = 1.0 / _E
        load = jnp.sum(u * (jnp.log(jnp.full((_E, 1, 1), u, jnp.float32))
                            - jnp.log(avg + 1e-8))) / _E

        part = (_W_CE * ce + _W_REG * reg + _W_SEM * sem + _W_STR * strv
                + _W_LOAD * load)
        misc_ref[0:1, 0:1] = jnp.reshape(part, (1, 1))
        misc_ref[0:1, 1:2] = jnp.reshape(sm_ref[0], (1, 1))
        gtc_ref[:, :] = acc_ref[:, :]



def _combine_body(part_ref, gtc_ref, misc_ref, total_ref):
    S = jnp.sum(part_ref[:, :, :], axis=0)
    jc = lax.broadcasted_iota(jnp.int32, (_E * _L, _E), 0) // _L
    bc = lax.broadcasted_iota(jnp.int32, (_E * _L, _E), 1)
    sel = (jc == bc).astype(jnp.float32)
    Gsc = lax.dot_general(S, sel, (((1,), (0,)), ((), ())),
                          preferred_element_type=jnp.float32)
    G = gtc_ref[:, :] + Gsc
    off_edge = _offdiag_mean_from_gram(G)
    div2 = (misc_ref[0:1, 1:2] + off_edge) / 2.0
    total_ref[0:1, 0:1] = misc_ref[0:1, 0:1] + _W_DIV * div2


def kernel(gate_logits, expert_logits, node_masks, edge_masks,
           loss_reg, loss_sem, loss_str, y, epoch):
    flag = (jnp.asarray(epoch, jnp.int32) < _TRAIN_AFTER).astype(
        jnp.float32).reshape(1)
    gate3 = gate_logits.T.reshape(_E, _G1, _G2)
    el0 = expert_logits[:, :, 0].reshape(_E, _G1, _G2)
    el1 = expert_logits[:, :, 1].reshape(_E, _G1, _G2)
    y3 = y.reshape(1, _G1, _G2)
    reg3 = loss_reg.reshape(_E, 1, 1)
    sem3 = loss_sem.reshape(_E, 1, 1)
    str3 = loss_str.reshape(_E, 1, 1)

    agg3, misc, gtc = pl.pallas_call(
        _tc_body,
        grid=(_NSTEP,),
        in_specs=[
            pl.BlockSpec(memory_space=pltpu.SMEM),
            pl.BlockSpec((_E, _G1, _G2), lambda i: (0, 0, 0)),
            pl.BlockSpec((_E, _G1, _G2), lambda i: (0, 0, 0)),
            pl.BlockSpec((_E, _G1, _G2), lambda i: (0, 0, 0)),
            pl.BlockSpec((_E, _NN), lambda i: (0, 0)),
            pl.BlockSpec((1, _G1, _G2), lambda i: (0, 0, 0)),
            pl.BlockSpec((_E, 1, 1), lambda i: (0, 0, 0)),
            pl.BlockSpec((_E, 1, 1), lambda i: (0, 0, 0)),
            pl.BlockSpec((_E, 1, 1), lambda i: (0, 0, 0)),
            pl.BlockSpec((_E, _CHUNK), lambda i: (0, i)),
        ],
        out_specs=[
            pl.BlockSpec((_C, _G1, _G2), lambda i: (0, 0, 0)),
            pl.BlockSpec((1, 128), lambda i: (0, 0)),
            pl.BlockSpec((_E, _E), lambda i: (0, 0)),
        ],
        out_shape=[
            jax.ShapeDtypeStruct((_C, _G1, _G2), jnp.float32),
            jax.ShapeDtypeStruct((1, 128), jnp.float32),
            jax.ShapeDtypeStruct((_E, _E), jnp.float32),
        ],
        scratch_shapes=[
            pltpu.VMEM((_E, _E), jnp.float32),
            pltpu.VMEM((_E, _G1, _G2), jnp.float32),
            pltpu.VMEM((4, _G1, _G2), jnp.float32),
            pltpu.SMEM((2,), jnp.float32),
        ],
    )(flag, gate3, el0, el1, node_masks, y3, reg3, sem3, str3, edge_masks)

    part_sc = _sc_gram(edge_masks)

    total = pl.pallas_call(
        _combine_body,
        out_shape=jax.ShapeDtypeStruct((1, 1), jnp.float32),
    )(part_sc, gtc, misc)

    return agg3.reshape(_C, _B).T, total.reshape(())

# --- scband reference (transcript-rebuilt; emitter-appended) ---
"""Pipeline reference for scband-mo-euilmodel-88716844466899 (READ-ONLY COPY).

The authoritative reference and input builder live on the scoring server;
editing this copy changes nothing except your own understanding.
"""

import jax, jax.numpy as jnp
import numpy as np

E = 8
B = 4096
C = 2
N_NODES = 100000
N_EDGES = 1600000
TRAIN_AFTER = 10
ALPHA = 1.5
W_CE, W_REG, W_SEM, W_STR, W_DIV, W_LOAD = 1.0, 0.5, 0.5, 0.5, 0.1, 0.01


def entmax_bisect(X, alpha=1.5, n_iter=50):
    d = X.shape[-1]
    Xs = X * (alpha - 1.0)
    max_val = jnp.max(Xs, axis=-1, keepdims=True)

    def _p(z):
        return jnp.clip(z, 0.0, None) ** (1.0 / (alpha - 1.0))

    tau_lo = max_val - 1.0
    tau_hi = max_val - (1.0 / d) ** (alpha - 1.0)
    f_lo = jnp.sum(_p(Xs - tau_lo), axis=-1, keepdims=True) - 1.0
    dm = tau_hi - tau_lo
    p_m = _p(Xs - tau_lo)
    for _ in range(n_iter):
        dm = dm / 2.0
        tau_m = tau_lo + dm
        p_m = _p(Xs - tau_m)
        f_m = jnp.sum(p_m, axis=-1, keepdims=True) - 1.0
        mask = (f_m * f_lo) >= 0
        tau_lo = jnp.where(mask, tau_m, tau_lo)
    return p_m / jnp.sum(p_m, axis=-1, keepdims=True)


def _cosine_offdiag_mean(X):
    n = jnp.maximum(jnp.linalg.norm(X, axis=1, keepdims=True), 1e-12)
    Xn = X / n
    sim = Xn @ Xn.T
    K = sim.shape[0]
    return (jnp.sum(sim) - jnp.sum(jnp.diagonal(sim))) / (K * (K - 1))


def _classification_loss(pred, y):
    nc = pred.shape[1]
    counts = jnp.bincount(y, minlength=nc, length=nc).astype(jnp.float32)
    counts = jnp.where(counts == 0, 1.0, counts)
    w = 1.0 / counts
    w = w / jnp.sum(w)
    logp = jax.nn.log_softmax(pred, axis=-1)
    nll = -jnp.take_along_axis(logp, y[:, None], axis=1)[:, 0]
    wi = w[y]
    return jnp.sum(wi * nll) / jnp.sum(wi)


def _moe_forward(gate_logits, expert_logits, node_masks, edge_masks, loss_reg, loss_sem, loss_str, y, epoch):
    Bq, Eq = gate_logits.shape
    gw0 = jnp.where(epoch < TRAIN_AFTER,
                    jnp.full((Bq, Eq), 1.0 / Eq, dtype=jnp.float32),
                    gate_logits)
    gate_weights = entmax_bisect(gw0, ALPHA)
    gw = jnp.transpose(gate_weights)[:, :, None]
    agg_logits = jnp.sum(expert_logits * gw, axis=0)
    ce = _classification_loss(agg_logits, y)
    w_first = gw[:, 0, 0]
    reg = jnp.sum(w_first * loss_reg)
    sem = jnp.sum(w_first * loss_sem)
    strv = jnp.sum(w_first * loss_str)
    div = (_cosine_offdiag_mean(node_masks) + _cosine_offdiag_mean(edge_masks)) / 2.0
    gwT = gw[:, :, 0].T
    avg = jnp.mean(gwT, axis=0)
    u = jnp.full_like(avg, 1.0 / avg.shape[0])
    load = jnp.sum(u * (jnp.log(u) - jnp.log(avg + 1e-8))) / avg.shape[0]
    total = W_CE * ce + W_REG * reg + W_SEM * sem + W_STR * strv + W_DIV * div + W_LOAD * load
    return agg_logits, total


def setup_inputs(seed: int = 0):
    key = jax.random.key(seed)
    ks = jax.random.split(key, 8)
    return {
        "gate_logits": jax.random.normal(ks[0], (B, E), dtype=jnp.float32),
        "expert_logits": jax.random.normal(ks[1], (E, B, C), dtype=jnp.float32),
        "node_masks": jax.random.uniform(ks[2], (E, N_NODES), dtype=jnp.float32),
        "edge_masks": jax.random.uniform(ks[3], (E, N_EDGES), dtype=jnp.float32),
        "loss_reg": jax.random.uniform(ks[4], (E,), dtype=jnp.float32),
        "loss_sem": jax.random.uniform(ks[5], (E,), dtype=jnp.float32),
        "loss_str": jax.random.uniform(ks[6], (E,), dtype=jnp.float32),
        "y": jax.random.randint(ks[7], (B,), 0, C, dtype=jnp.int32),
        "epoch": 50,
    }


def reference(gate_logits, expert_logits, node_masks, edge_masks, loss_reg, loss_sem, loss_str, y, epoch):
    return _moe_forward(gate_logits, expert_logits, node_masks, edge_masks, loss_reg, loss_sem, loss_str, y, epoch)

if __name__ == "__main__":
    import jax
    _d = setup_inputs()
    print(jax.jit(kernel)(*tuple(_d.values())))

</pallas_src>

<mosaic_0001>
#map = affine_map<(d0, d1) -> (0, 0)>
#map1 = affine_map<(d0, d1) -> (0, 0, 0)>
module attributes {stable_mosaic.version = 14 : i64} {
  func.func @_sc_body(%arg0: i32, %arg1: i32, %arg2: memref<8x1600000xf32, #tpu.memory_space<hbm>>, %arg3: memref<32x8x128xf32, #tpu.memory_space<hbm>>, %arg4: memref<8x3200xf32, #tpu.memory_space<vmem>>, %arg5: memref<8x128xf32, #tpu.memory_space<vmem>>, %arg6: memref<!tpu.dma_semaphore, #tpu.memory_space<semaphore_mem>>) attributes {dimension_semantics = [#tpu.dimension_semantics<core_parallel>, #tpu.dimension_semantics<subcore_parallel>], iteration_bounds = array<i64: 2, 16>, scalar_prefetch = 0 : i64, scratch_operands = 3 : i64, tpu.core_type = #tpu.core_type<sc_vector_subcore>, window_params = [{transform_indices = #map}, {transform_indices = #map1}]} {
    %mul3A = arith.constant 2 : i32
    %mul3A_0 = arith.muli %arg1, %mul3A : i32
    %add3A = arith.addi %mul3A_0, %arg0 : i32
    %mul3A_1 = arith.constant 16000 : i32
    %mul3A_2 = arith.muli %add3A, %mul3A_1 : i32
    %add3A_3 = arith.constant 1088000 : i32
    %add3A_4 = arith.addi %add3A_3, %mul3A_2 : i32
    %broadcast_in_dim3A = arith.constant 0.000000e+00 : f32
    %broadcast_in_dim3A_5 = vector.broadcast %broadcast_in_dim3A : f32 to vector<16xf32>
    %broadcast_in_dim3A_6 = arith.constant 0.000000e+00 : f32
    %broadcast_in_dim3A_7 = vector.broadcast %broadcast_in_dim3A_6 : f32 to vector<16xf32>
    %broadcast_in_dim3A_8 = arith.constant 0.000000e+00 : f32
    %broadcast_in_dim3A_9 = vector.broadcast %broadcast_in_dim3A_8 : f32 to vector<16xf32>
    %broadcast_in_dim3A_10 = arith.constant 0.000000e+00 : f32
    %broadcast_in_dim3A_11 = vector.broadcast %broadcast_in_dim3A_10 : f32 to vector<16xf32>
    %broadcast_in_dim3A_12 = arith.constant 0.000000e+00 : f32
    %broadcast_in_dim3A_13 = vector.broadcast %broadcast_in_dim3A_12 : f32 to vector<16xf32>
    %broadcast_in_dim3A_14 = arith.constant 0.000000e+00 : f32
    %broadcast_in_dim3A_15 = vector.broadcast %broadcast_in_dim3A_14 : f32 to vector<16xf32>
    %broadcast_in_dim3A_16 = arith.constant 0.000000e+00 : f32
    %broadcast_in_dim3A_17 = vector.broadcast %broadcast_in_dim3A_16 : f32 to vector<16xf32>
    %broadcast_in_dim3A_18 = arith.constant 0.000000e+00 : f32
    %broadcast_in_dim3A_19 = vector.broadcast %broadcast_in_dim3A_18 : f32 to vector<16xf32>
    %broadcast_in_dim3A_20 = arith.constant 0.000000e+00 : f32
    %broadcast_in_dim3A_21 = vector.broadcast %broadcast_in_dim3A_20 : f32 to vector<16xf32>
    %broadcast_in_dim3A_22 = arith.constant 0.000000e+00 : f32
    %broadcast_in_dim3A_23 = vector.broadcast %broadcast_in_dim3A_22 : f32 to vector<16xf32>
    %broadcast_in_dim3A_24 = arith.constant 0.000000e+00 : f32
    %broadcast_in_dim3A_25 = vector.broadcast %broadcast_in_dim3A_24 : f32 to vector<16xf32>
    %broadcast_in_dim3A_26 = arith.constant 0.000000e+00 : f32
    %broadcast_in_dim3A_27 = vector.broadcast %broadcast_in_dim3A_26 : f32 to vector<16xf32>
    %broadcast_in_dim3A_28 = arith.constant 0.000000e+00 : f32
    %broadcast_in_dim3A_29 = vector.broadcast %broadcast_in_dim3A_28 : f32 to vector<16xf32>
    %broadcast_in_dim3A_30 = arith.constant 0.000000e+00 : f32
    %broadcast_in_dim3A_31 = vector.broadcast %broadcast_in_dim3A_30 : f32 to vector<16xf32>
    %broadcast_in_dim3A_32 = arith.constant 0.000000e+00 : f32
    %broadcast_in_dim3A_33 = vector.broadcast %broadcast_in_dim3A_32 : f32 to vector<16xf32>
    %broadcast_in_dim3A_34 = arith.constant 0.000000e+00 : f32
    %broadcast_in_dim3A_35 = vector.broadcast %broadcast_in_dim3A_34 : f32 to vector<16xf32>
    %broadcast_in_dim3A_36 = arith.constant 0.000000e+00 : f32
    %broadcast_in_dim3A_37 = vector.broadcast %broadcast_in_dim3A_36 : f32 to vector<16xf32>
    %broadcast_in_dim3A_38 = arith.constant 0.000000e+00 : f32
    %broadcast_in_dim3A_39 = vector.broadcast %broadcast_in_dim3A_38 : f32 to vector<16xf32>
    %broadcast_in_dim3A_40 = arith.constant 0.000000e+00 : f32
    %broadcast_in_dim3A_41 = vector.broadcast %broadcast_in_dim3A_40 : f32 to vector<16xf32>
    %broadcast_in_dim3A_42 = arith.constant 0.000000e+00 : f32
    %broadcast_in_dim3A_43 = vector.broadcast %broadcast_in_dim3A_42 : f32 to vector<16xf32>
    %broadcast_in_dim3A_44 = arith.constant 0.000000e+00 : f32
    %broadcast_in_dim3A_45 = vector.broadcast %broadcast_in_dim3A_44 : f32 to vector<16xf32>
    %broadcast_in_dim3A_46 = arith.constant 0.000000e+00 : f32
    %broadcast_in_dim3A_47 = vector.broadcast %broadcast_in_dim3A_46 : f32 to vector<16xf32>
    %broadcast_in_dim3A_48 = arith.constant 0.000000e+00 : f32
    %broadcast_in_dim3A_49 = vector.broadcast %broadcast_in_dim3A_48 : f32 to vector<16xf32>
    %broadcast_in_dim3A_50 = arith.constant 0.000000e+00 : f32
    %broadcast_in_dim3A_51 = vector.broadcast %broadcast_in_dim3A_50 : f32 to vector<16xf32>
    %broadcast_in_dim3A_52 = arith.constant 0.000000e+00 : f32
    %broadcast_in_dim3A_53 = vector.broadcast %broadcast_in_dim3A_52 : f32 to vector<16xf32>
    %broadcast_in_dim3A_54 = arith.constant 0.000000e+00 : f32
    %broadcast_in_dim3A_55 = vector.broadcast %broadcast_in_dim3A_54 : f32 to vector<16xf32>
    %broadcast_in_dim3A_56 = arith.constant 0.000000e+00 : f32
    %broadcast_in_dim3A_57 = vector.broadcast %broadcast_in_dim3A_56 : f32 to vector<16xf32>
    %broadcast_in_dim3A_58 = arith.constant 0.000000e+00 : f32
    %broadcast_in_dim3A_59 = vector.broadcast %broadcast_in_dim3A_58 : f32 to vector<16xf32>
    %broadcast_in_dim3A_60 = arith.constant 0.000000e+00 : f32
    %broadcast_in_dim3A_61 = vector.broadcast %broadcast_in_dim3A_60 : f32 to vector<16xf32>
    %broadcast_in_dim3A_62 = arith.constant 0.000000e+00 : f32
    %broadcast_in_dim3A_63 = vector.broadcast %broadcast_in_dim3A_62 : f32 to vector<16xf32>
    %broadcast_in_dim3A_64 = arith.constant 0.000000e+00 : f32
    %broadcast_in_dim3A_65 = vector.broadcast %broadcast_in_dim3A_64 : f32 to vector<16xf32>
    %broadcast_in_dim3A_66 = arith.constant 0.000000e+00 : f32
    %broadcast_in_dim3A_67 = vector.broadcast %broadcast_in_dim3A_66 : f32 to vector<16xf32>
    %broadcast_in_dim3A_68 = arith.constant 0.000000e+00 : f32
    %broadcast_in_dim3A_69 = vector.broadcast %broadcast_in_dim3A_68 : f32 to vector<16xf32>
    %broadcast_in_dim3A_70 = arith.constant 0.000000e+00 : f32
    %broadcast_in_dim3A_71 = vector.broadcast %broadcast_in_dim3A_70 : f32 to vector<16xf32>
    %broadcast_in_dim3A_72 = arith.constant 0.000000e+00 : f32
    %broadcast_in_dim3A_73 = vector.broadcast %broadcast_in_dim3A_72 : f32 to vector<16xf32>
    %broadcast_in_dim3A_74 = arith.constant 0.000000e+00 : f32
    %broadcast_in_dim3A_75 = vector.broadcast %broadcast_in_dim3A_74 : f32 to vector<16xf32>
    %scan3A = arith.constant 0 : i32
    %scan3A_76 = arith.constant 5 : i32
    %scan3A_77 = arith.addi %scan3A, %scan3A_76 : i32
    %scan3A_78 = arith.constant 1 : i32
    %scan3A_79:36 = scf.for %scan3A_464 = %scan3A to %scan3A_77 step %scan3A_78 iter_args(%scan3A_465 = %broadcast_in_dim3A_5, %scan3A_466 = %broadcast_in_dim3A_7, %scan3A_467 = %broadcast_in_dim3A_9, %scan3A_468 = %broadcast_in_dim3A_11, %scan3A_469 = %broadcast_in_dim3A_13, %scan3A_470 = %broadcast_in_dim3A_15, %scan3A_471 = %broadcast_in_dim3A_17, %scan3A_472 = %broadcast_in_dim3A_19, %scan3A_473 = %broadcast_in_dim3A_21, %scan3A_474 = %broadcast_in_dim3A_23, %scan3A_475 = %broadcast_in_dim3A_25, %scan3A_476 = %broadcast_in_dim3A_27, %scan3A_477 = %broadcast_in_dim3A_29, %scan3A_478 = %broadcast_in_dim3A_31, %scan3A_479 = %broadcast_in_dim3A_33, %scan3A_480 = %broadcast_in_dim3A_35, %scan3A_481 = %broadcast_in_dim3A_37, %scan3A_482 = %broadcast_in_dim3A_39, %scan3A_483 = %broadcast_in_dim3A_41, %scan3A_484 = %broadcast_in_dim3A_43, %scan3A_485 = %broadcast_in_dim3A_45, %scan3A_486 = %broadcast_in_dim3A_47, %scan3A_487 = %broadcast_in_dim3A_49, %scan3A_488 = %broadcast_in_dim3A_51, %scan3A_489 = %broadcast_in_dim3A_53, %scan3A_490 = %broadcast_in_dim3A_55, %scan3A_491 = %broadcast_in_dim3A_57, %scan3A_492 = %broadcast_in_dim3A_59, %scan3A_493 = %broadcast_in_dim3A_61, %scan3A_494 = %broadcast_in_dim3A_63, %scan3A_495 = %broadcast_in_dim3A_65, %scan3A_496 = %broadcast_in_dim3A_67, %scan3A_497 = %broadcast_in_dim3A_69, %scan3A_498 = %broadcast_in_dim3A_71, %scan3A_499 = %broadcast_in_dim3A_73, %scan3A_500 = %broadcast_in_dim3A_75) -> (vector<16xf32>, vector<16xf32>, vector<16xf32>, vector<16xf32>, vector<16xf32>, vector<16xf32>, vector<16xf32>, vector<16xf32>, vector<16xf32>, vector<16xf32>, vector<16xf32>, vector<16xf32>, vector<16xf32>, vector<16xf32>, vector<16xf32>, vector<16xf32>, vector<16xf32>, vector<16xf32>, vector<16xf32>, vector<16xf32>, vector<16xf32>, vector<16xf32>, vector<16xf32>, vector<16xf32>, vector<16xf32>, vector<16xf32>, vector<16xf32>, vector<16xf32>, vector<16xf32>, vector<16xf32>, vector<16xf32>, vector<16xf32>, vector<16xf32>, vector<16xf32>, vector<16xf32>, vector<16xf32>)  : i32 {
      %mul3A_501 = arith.constant 3200 : i32
      %mul3A_502 = arith.muli %scan3A_464, %mul3A_501 : i32
      %add3A_503 = arith.addi %add3A_4, %mul3A_502 : i32
      %dma_start3A = arith.constant 0 : i32
      %dma_start3A_504 = tpu.memref_slice %arg2[%dma_start3A, %add3A_503] : memref<8x1600000xf32, #tpu.memory_space<hbm>> -> memref<8x3200xf32, #tpu.memory_space<hbm>>
      %dma_start3A_505 = arith.constant 0 : i32
      %dma_start3A_506 = tpu.memref_slice %arg2[%dma_start3A_505, %add3A_503] : memref<8x1600000xf32, #tpu.memory_space<hbm>> -> memref<8x3200xf32, #tpu.memory_space<hbm>>
      tpu.enqueue_dma source(%dma_start3A_506 : memref<8x3200xf32, #tpu.memory_space<hbm>>) target(%arg4 : memref<8x3200xf32, #tpu.memory_space<vmem>>) target_semaphore(%arg6 : memref<!tpu.dma_semaphore, #tpu.memory_space<semaphore_mem>>)
      %dma_wait3A = arith.constant 0 : i32
      %dma_wait3A_507 = tpu.memref_slice %arg2[%dma_wait3A, %add3A_503] : memref<8x1600000xf32, #tpu.memory_space<hbm>> -> memref<8x3200xf32, #tpu.memory_space<hbm>>
      %dma_wait3A_508 = arith.constant 0 : i32
      %dma_wait3A_509 = tpu.memref_slice %arg2[%dma_wait3A_508, %add3A_503] : memref<8x1600000xf32, #tpu.memory_space<hbm>> -> memref<8x3200xf32, #tpu.memory_space<hbm>>
      tpu.wait_dma2 semaphore(%arg6 : memref<!tpu.dma_semaphore, #tpu.memory_space<semaphore_mem>>) src(%dma_wait3A_509 : memref<8x3200xf32, #tpu.memory_space<hbm>>) dst(%arg4 : memref<8x3200xf32, #tpu.memory_space<vmem>>)
      %scan3A_510 = arith.constant 0 : i32
      %scan3A_511 = arith.constant 200 : i32
      %scan3A_512 = arith.addi %scan3A_510, %scan3A_511 : i32
      %scan3A_513 = arith.constant 1 : i32
      %scan3A_514:36 = scf.for %scan3A_516 = %scan3A_510 to %scan3A_512 step %scan3A_513 iter_args(%scan3A_517 = %scan3A_465, %scan3A_518 = %scan3A_466, %scan3A_519 = %scan3A_467, %scan3A_520 = %scan3A_468, %scan3A_521 = %scan3A_469, %scan3A_522 = %scan3A_470, %scan3A_523 = %scan3A_471, %scan3A_524 = %scan3A_472, %scan3A_525 = %scan3A_473, %scan3A_526 = %scan3A_474, %scan3A_527 = %scan3A_475, %scan3A_528 = %scan3A_476, %scan3A_529 = %scan3A_477, %scan3A_530 = %scan3A_478, %scan3A_531 = %scan3A_479, %scan3A_532 = %scan3A_480, %scan3A_533 = %scan3A_481, %scan3A_534 = %scan3A_482, %scan3A_535 = %scan3A_483, %scan3A_536 = %scan3A_484, %scan3A_537 = %scan3A_485, %scan3A_538 = %scan3A_486, %scan3A_539 = %scan3A_487, %scan3A_540 = %scan3A_488, %scan3A_541 = %scan3A_489, %scan3A_542 = %scan3A_490, %scan3A_543 = %scan3A_491, %scan3A_544 = %scan3A_492, %scan3A_545 = %scan3A_493, %scan3A_546 = %scan3A_494, %scan3A_547 = %scan3A_495, %scan3A_548 = %scan3A_496, %scan3A_549 = %scan3A_497, %scan3A_550 = %scan3A_498, %scan3A_551 = %scan3A_499, %scan3A_552 = %scan3A_500) -> (vector<16xf32>, vector<16xf32>, vector<16xf32>, vector<16xf32>, vector<16xf32>, vector<16xf32>, vector<16xf32>, vector<16xf32>, vector<16xf32>, vector<16xf32>, vector<16xf32>, vector<16xf32>, vector<16xf32>, vector<16xf32>, vector<16xf32>, vector<16xf32>, vector<16xf32>, vector<16xf32>, vector<16xf32>, vector<16xf32>, vector<16xf32>, vector<16xf32>, vector<16xf32>, vector<16xf32>, vector<16xf32>, vector<16xf32>, vector<16xf32>, vector<16xf32>, vector<16xf32>, vector<16xf32>, vector<16xf32>, vector<16xf32>, vector<16xf32>, vector<16xf32>, vector<16xf32>, vector<16xf32>)  : i32 {
        %mul3A_553 = arith.constant 16 : i32
        %mul3A_554 = arith.muli %scan3A_516, %mul3A_553 : i32
        %get3A = arith.constant 0 : i32
        %get3A_555 = arith.index_cast %get3A : i32 to index
        %get3A_556 = arith.index_cast %mul3A_554 : i32 to index
        %get3A_557 = tpu.vector_load %arg4[%get3A_555, %get3A_556] {strides = array<i32>} : memref<8x3200xf32, #tpu.memory_space<vmem>>, vector<1x16xf32>,
        %get3A_558 = vector.shape_cast %get3A_557 : vector<1x16xf32> to vector<16xf32>
        %mul3A_559 = arith.constant 16 : i32
        %mul3A_560 = arith.muli %scan3A_516, %mul3A_559 : i32
        %get3A_561 = arith.constant 1 : i32
        %get3A_562 = arith.index_cast %get3A_561 : i32 to index
        %get3A_563 = arith.index_cast %mul3A_560 : i32 to index
        %get3A_564 = tpu.vector_load %arg4[%get3A_562, %get3A_563] {strides = array<i32>} : memref<8x3200xf32, #tpu.memory_space<vmem>>, vector<1x16xf32>,
        %get3A_565 = vector.shape_cast %get3A_564 : vector<1x16xf32> to vector<16xf32>
        %mul3A_566 = arith.constant 16 : i32
        %mul3A_567 = arith.muli %scan3A_516, %mul3A_566 : i32
        %get3A_568 = arith.constant 2 : i32
        %get3A_569 = arith.index_cast %get3A_568 : i32 to index
        %get3A_570 = arith.index_cast %mul3A_567 : i32 to index
        %get3A_571 = tpu.vector_load %arg4[%get3A_569, %get3A_570] {strides = array<i32>} : memref<8x3200xf32, #tpu.memory_space<vmem>>, vector<1x16xf32>,
        %get3A_572 = vector.shape_cast %get3A_571 : vector<1x16xf32> to vector<16xf32>
        %mul3A_573 = arith.constant 16 : i32
        %mul3A_574 = arith.muli %scan3A_516, %mul3A_573 : i32
        %get3A_575 = arith.constant 3 : i32
        %get3A_576 = arith.index_cast %get3A_575 : i32 to index
        %get3A_577 = arith.index_cast %mul3A_574 : i32 to index
        %get3A_578 = tpu.vector_load %arg4[%get3A_576, %get3A_577] {strides = array<i32>} : memref<8x3200xf32, #tpu.memory_space<vmem>>, vector<1x16xf32>,
        %get3A_579 = vector.shape_cast %get3A_578 : vector<1x16xf32> to vector<16xf32>
        %mul3A_580 = arith.constant 16 : i32
        %mul3A_581 = arith.muli %scan3A_516, %mul3A_580 : i32
        %get3A_582 = arith.constant 4 : i32
        %get3A_583 = arith.index_cast %get3A_582 : i32 to index
        %get3A_584 = arith.index_cast %mul3A_581 : i32 to index
        %get3A_585 = tpu.vector_load %arg4[%get3A_583, %get3A_584] {strides = array<i32>} : memref<8x3200xf32, #tpu.memory_space<vmem>>, vector<1x16xf32>,
        %get3A_586 = vector.shape_cast %get3A_585 : vector<1x16xf32> to vector<16xf32>
        %mul3A_587 = arith.constant 16 : i32
        %mul3A_588 = arith.muli %scan3A_516, %mul3A_587 : i32
        %get3A_589 = arith.constant 5 : i32
        %get3A_590 = arith.index_cast %get3A_589 : i32 to index
        %get3A_591 = arith.index_cast %mul3A_588 : i32 to index
        %get3A_592 = tpu.vector_load %arg4[%get3A_590, %get3A_591] {strides = array<i32>} : memref<8x3200xf32, #tpu.memory_space<vmem>>, vector<1x16xf32>,
        %get3A_593 = vector.shape_cast %get3A_592 : vector<1x16xf32> to vector<16xf32>
        %mul3A_594 = arith.constant 16 : i32
        %mul3A_595 = arith.muli %scan3A_516, %mul3A_594 : i32
        %get3A_596 = arith.constant 6 : i32
        %get3A_597 = arith.index_cast %get3A_596 : i32 to index
        %get3A_598 = arith.index_cast %mul3A_595 : i32 to index
        %get3A_599 = tpu.vector_load %arg4[%get3A_597, %get3A_598] {strides = array<i32>} : memref<8x3200xf32, #tpu.memory_space<vmem>>, vector<1x16xf32>,
        %get3A_600 = vector.shape_cast %get3A_599 : vector<1x16xf32> to vector<16xf32>
        %mul3A_601 = arith.constant 16 : i32
        %mul3A_602 = arith.muli %scan3A_516, %mul3A_601 : i32
        %get3A_603 = arith.constant 7 : i32
        %get3A_604 = arith.index_cast %get3A_603 : i32 to index
        %get3A_605 = arith.index_cast %mul3A_602 : i32 to index
        %get3A_606 = tpu.vector_load %arg4[%get3A_604, %get3A_605] {strides = array<i32>} : memref<8x3200xf32, #tpu.memory_space<vmem>>, vector<1x16xf32>,
        %get3A_607 = vector.shape_cast %get3A_606 : vector<1x16xf32> to vector<16xf32>
        %mul3A_608 = arith.mulf %get3A_558, %get3A_558 : vector<16xf32>
        %add3A_609 = arith.addf %scan3A_517, %mul3A_608 : vector<16xf32>
        %mul3A_610 = arith.mulf %get3A_558, %get3A_565 : vector<16xf32>
        %add3A_611 = arith.addf %scan3A_518, %mul3A_610 : vector<16xf32>
        %mul3A_612 = arith.mulf %get3A_558, %get3A_572 : vector<16xf32>
        %add3A_613 = arith.addf %scan3A_519, %mul3A_612 : vector<16xf32>
        %mul3A_614 = arith.mulf %get3A_558, %get3A_579 : vector<16xf32>
        %add3A_615 = arith.addf %scan3A_520, %mul3A_614 : vector<16xf32>
        %mul3A_616 = arith.mulf %get3A_558, %get3A_586 : vector<16xf32>
        %add3A_617 = arith.addf %scan3A_521, %mul3A_616 : vector<16xf32>
        %mul3A_618 = arith.mulf %get3A_558, %get3A_593 : vector<16xf32>
        %add3A_619 = arith.addf %scan3A_522, %mul3A_618 : vector<16xf32>
        %mul3A_620 = arith.mulf %get3A_558, %get3A_600 : vector<16xf32>
        %add3A_621 = arith.addf %scan3A_523, %mul3A_620 : vector<16xf32>
        %mul3A_622 = arith.mulf %get3A_558, %get3A_607 : vector<16xf32>
        %add3A_623 = arith.addf %scan3A_524, %mul3A_622 : vector<16xf32>
        %mul3A_624 = arith.mulf %get3A_565, %get3A_565 : vector<16xf32>
        %add3A_625 = arith.addf %scan3A_525, %mul3A_624 : vector<16xf32>
        %mul3A_626 = arith.mulf %get3A_565, %get3A_572 : vector<16xf32>
        %add3A_627 = arith.addf %scan3A_526, %mul3A_626 : vector<16xf32>
        %mul3A_628 = arith.mulf %get3A_565, %get3A_579 : vector<16xf32>
        %add3A_629 = arith.addf %scan3A_527, %mul3A_628 : vector<16xf32>
        %mul3A_630 = arith.mulf %get3A_565, %get3A_586 : vector<16xf32>
        %add3A_631 = arith.addf %scan3A_528, %mul3A_630 : vector<16xf32>
        %mul3A_632 = arith.mulf %get3A_565, %get3A_593 : vector<16xf32>
        %add3A_633 = arith.addf %scan3A_529, %mul3A_632 : vector<16xf32>
        %mul3A_634 = arith.mulf %get3A_565, %get3A_600 : vector<16xf32>
        %add3A_635 = arith.addf %scan3A_530, %mul3A_634 : vector<16xf32>
        %mul3A_636 = arith.mulf %get3A_565, %get3A_607 : vector<16xf32>
        %add3A_637 = arith.addf %scan3A_531, %mul3A_636 : vector<16xf32>
        %mul3A_638 = arith.mulf %get3A_572, %get3A_572 : vector<16xf32>
        %add3A_639 = arith.addf %scan3A_532, %mul3A_638 : vector<16xf32>
        %mul3A_640 = arith.mulf %get3A_572, %get3A_579 : vector<16xf32>
        %add3A_641 = arith.addf %scan3A_533, %mul3A_640 : vector<16xf32>
        %mul3A_642 = arith.mulf %get3A_572, %get3A_586 : vector<16xf32>
        %add3A_643 = arith.addf %scan3A_534, %mul3A_642 : vector<16xf32>
        %mul3A_644 = arith.mulf %get3A_572, %get3A_593 : vector<16xf32>
        %add3A_645 = arith.addf %scan3A_535, %mul3A_644 : vector<16xf32>
        %mul3A_646 = arith.mulf %get3A_572, %get3A_600 : vector<16xf32>
        %add3A_647 = arith.addf %scan3A_536, %mul3A_646 : vector<16xf32>
        %mul3A_648 = arith.mulf %get3A_572, %get3A_607 : vector<16xf32>
        %add3A_649 = arith.addf %scan3A_537, %mul3A_648 : vector<16xf32>
        %mul3A_650 = arith.mulf %get3A_579, %get3A_579 : vector<16xf32>
        %add3A_651 = arith.addf %scan3A_538, %mul3A_650 : vector<16xf32>
        %mul3A_652 = arith.mulf %get3A_579, %get3A_586 : vector<16xf32>
        %add3A_653 = arith.addf %scan3A_539, %mul3A_652 : vector<16xf32>
        %mul3A_654 = arith.mulf %get3A_579, %get3A_593 : vector<16xf32>
        %add3A_655 = arith.addf %scan3A_540, %mul3A_654 : vector<16xf32>
        %mul3A_656 = arith.mulf %get3A_579, %get3A_600 : vector<16xf32>
        %add3A_657 = arith.addf %scan3A_541, %mul3A_656 : vector<16xf32>
        %mul3A_658 = arith.mulf %get3A_579, %get3A_607 : vector<16xf32>
        %add3A_659 = arith.addf %scan3A_542, %mul3A_658 : vector<16xf32>
        %mul3A_660 = arith.mulf %get3A_586, %get3A_586 : vector<16xf32>
        %add3A_661 = arith.addf %scan3A_543, %mul3A_660 : vector<16xf32>
        %mul3A_662 = arith.mulf %get3A_586, %get3A_593 : vector<16xf32>
        %add3A_663 = arith.addf %scan3A_544, %mul3A_662 : vector<16xf32>
        %mul3A_664 = arith.mulf %get3A_586, %get3A_600 : vector<16xf32>
        %add3A_665 = arith.addf %scan3A_545, %mul3A_664 : vector<16xf32>
        %mul3A_666 = arith.mulf %get3A_586, %get3A_607 : vector<16xf32>
        %add3A_667 = arith.addf %scan3A_546, %mul3A_666 : vector<16xf32>
        %mul3A_668 = arith.mulf %get3A_593, %get3A_593 : vector<16xf32>
        %add3A_669 = arith.addf %scan3A_547, %mul3A_668 : vector<16xf32>
        %mul3A_670 = arith.mulf %get3A_593, %get3A_600 : vector<16xf32>
        %add3A_671 = arith.addf %scan3A_548, %mul3A_670 : vector<16xf32>
        %mul3A_672 = arith.mulf %get3A_593, %get3A_607 : vector<16xf32>
        %add3A_673 = arith.addf %scan3A_549, %mul3A_672 : vector<16xf32>
        %mul3A_674 = arith.mulf %get3A_600, %get3A_600 : vector<16xf32>
        %add3A_675 = arith.addf %scan3A_550, %mul3A_674 : vector<16xf32>
        %mul3A_676 = arith.mulf %get3A_600, %get3A_607 : vector<16xf32>
        %add3A_677 = arith.addf %scan3A_551, %mul3A_676 : vector<16xf32>
        %mul3A_678 = arith.mulf %get3A_607, %get3A_607 : vector<16xf32>
        %add3A_679 = arith.addf %scan3A_552, %mul3A_678 : vector<16xf32>
        scf.yield %add3A_609, %add3A_611, %add3A_613, %add3A_615, %add3A_617, %add3A_619, %add3A_621, %add3A_623, %add3A_625, %add3A_627, %add3A_629, %add3A_631, %add3A_633, %add3A_635, %add3A_637, %add3A_639, %add3A_641, %add3A_643, %add3A_645, %add3A_647, %add3A_649, %add3A_651, %add3A_653, %add3A_655, %add3A_657, %add3A_659, %add3A_661, %add3A_663, %add3A_665, %add3A_667, %add3A_669, %add3A_671, %add3A_673, %add3A_675, %add3A_677, %add3A_679 : vector<16xf32>, vector<16xf32>, vector<16xf32>, vector<16xf32>, vector<16xf32>, vector<16xf32>, vector<16xf32>, vector<16xf32>, vector<16xf32>, vector<16xf32>, vector<16xf32>, vector<16xf32>, vector<16xf32>, vector<16xf32>, vector<16xf32>, vector<16xf32>, vector<16xf32>, vector<16xf32>, vector<16xf32>, vector<16xf32>, vector<16xf32>, vector<16xf32>, vector<16xf32>, vector<16xf32>, vector<16xf32>, vector<16xf32>, vector<16xf32>, vector<16xf32>, vector<16xf32>, vector<16xf32>, vector<16xf32>, vector<16xf32>, vector<16xf32>, vector<16xf32>, vector<16xf32>, vector<16xf32>
      }
      %scan3A_515 = arith.constant 200 : i32
      scf.yield %scan3A_514#0, %scan3A_514#1, %scan3A_514#2, %scan3A_514#3, %scan3A_514#4, %scan3A_514#5, %scan3A_514#6, %scan3A_514#7, %scan3A_514#8, %scan3A_514#9, %scan3A_514#10, %scan3A_514#11, %scan3A_514#12, %scan3A_514#13, %scan3A_514#14, %scan3A_514#15, %scan3A_514#16, %scan3A_514#17, %scan3A_514#18, %scan3A_514#19, %scan3A_514#20, %scan3A_514#21, %scan3A_514#22, %scan3A_514#23, %scan3A_514#24, %scan3A_514#25, %scan3A_514#26, %scan3A_514#27, %scan3A_514#28, %scan3A_514#29, %scan3A_514#30, %scan3A_514#31, %scan3A_514#32, %scan3A_514#33, %scan3A_514#34, %scan3A_514#35 : vector<16xf32>, vector<16xf32>, vector<16xf32>, vector<16xf32>, vector<16xf32>, vector<16xf32>, vector<16xf32>, vector<16xf32>, vector<16xf32>, vector<16xf32>, vector<16xf32>, vector<16xf32>, vector<16xf32>, vector<16xf32>, vector<16xf32>, vector<16xf32>, vector<16xf32>, vector<16xf32>, vector<16xf32>, vector<16xf32>, vector<16xf32>, vector<16xf32>, vector<16xf32>, vector<16xf32>, vector<16xf32>, vector<16xf32>, vector<16xf32>, vector<16xf32>, vector<16xf32>, vector<16xf32>, vector<16xf32>, vector<16xf32>, vector<16xf32>, vector<16xf32>, vector<16xf32>, vector<16xf32>
    }
    %scan3A_80 = arith.constant 5 : i32
    %swap3A = arith.constant 0 : i32
    %swap3A_81 = arith.index_cast %swap3A : i32 to index
    %swap3A_82 = arith.constant 0 : index
    %swap3A_83 = tpu.vector_load %arg5[%swap3A_81, %swap3A_82] {strides = array<i32>} : memref<8x128xf32, #tpu.memory_space<vmem>>, vector<1x16xf32>,
    %swap3A_84 = vector.shape_cast %swap3A_83 : vector<1x16xf32> to vector<16xf32>
    %swap3A_85 = vector.shape_cast %scan3A_79#0 : vector<16xf32> to vector<1x16xf32>
    tpu.vector_store %arg5[%swap3A_81, %swap3A_82], %swap3A_85 {strides = array<i32>} : memref<8x128xf32, #tpu.memory_space<vmem>>, vector<1x16xf32>,
    %swap3A_86 = arith.constant 0 : i32
    %swap3A_87 = arith.index_cast %swap3A_86 : i32 to index
    %swap3A_88 = arith.constant 16 : index
    %swap3A_89 = tpu.vector_load %arg5[%swap3A_87, %swap3A_88] {strides = array<i32>} : memref<8x128xf32, #tpu.memory_space<vmem>>, vector<1x16xf32>,
    %swap3A_90 = vector.shape_cast %swap3A_89 : vector<1x16xf32> to vector<16xf32>
    %swap3A_91 = vector.shape_cast %scan3A_79#1 : vector<16xf32> to vector<1x16xf32>
    tpu.vector_store %arg5[%swap3A_87, %swap3A_88], %swap3A_91 {strides = array<i32>} : memref<8x128xf32, #tpu.memory_space<vmem>>, vector<1x16xf32>,
    %swap3A_92 = arith.constant 1 : i32
    %swap3A_93 = arith.index_cast %swap3A_92 : i32 to index
    %swap3A_94 = arith.constant 0 : index
    %swap3A_95 = tpu.vector_load %arg5[%swap3A_93, %swap3A_94] {strides = array<i32>} : memref<8x128xf32, #tpu.memory_space<vmem>>, vector<1x16xf32>,
    %swap3A_96 = vector.shape_cast %swap3A_95 : vector<1x16xf32> to vector<16xf32>
    %swap3A_97 = vector.shape_cast %scan3A_79#1 : vector<16xf32> to vector<1x16xf32>
    tpu.vector_store %arg5[%swap3A_93, %swap3A_94], %swap3A_97 {strides = array<i32>} : memref<8x128xf32, #tpu.memory_space<vmem>>, vector<1x16xf32>,
    %swap3A_98 = arith.constant 0 : i32
    %swap3A_99 = arith.index_cast %swap3A_98 : i32 to index
    %swap3A_100 = arith.constant 32 : index
    %swap3A_101 = tpu.vector_load %arg5[%swap3A_99, %swap3A_100] {strides = array<i32>} : memref<8x128xf32, #tpu.memory_space<vmem>>, vector<1x16xf32>,
    %swap3A_102 = vector.shape_cast %swap3A_101 : vector<1x16xf32> to vector<16xf32>
    %swap3A_103 = vector.shape_cast %scan3A_79#2 : vector<16xf32> to vector<1x16xf32>
    tpu.vector_store %arg5[%swap3A_99, %swap3A_100], %swap3A_103 {strides = array<i32>} : memref<8x128xf32, #tpu.memory_space<vmem>>, vector<1x16xf32>,
    %swap3A_104 = arith.constant 2 : i32
    %swap3A_105 = arith.index_cast %swap3A_104 : i32 to index
    %swap3A_106 = arith.constant 0 : index
    %swap3A_107 = tpu.vector_load %arg5[%swap3A_105, %swap3A_106] {strides = array<i32>} : memref<8x128xf32, #tpu.memory_space<vmem>>, vector<1x16xf32>,
    %swap3A_108 = vector.shape_cast %swap3A_107 : vector<1x16xf32> to vector<16xf32>
    %swap3A_109 = vector.shape_cast %scan3A_79#2 : vector<16xf32> to vector<1x16xf32>
    tpu.vector_store %arg5[%swap3A_105, %swap3A_106], %swap3A_109 {strides = array<i32>} : memref<8x128xf32, #tpu.memory_space<vmem>>, vector<1x16xf32>,
    %swap3A_110 = arith.constant 0 : i32
    %swap3A_111 = arith.index_cast %swap3A_110 : i32 to index
    %swap3A_112 = arith.constant 48 : index
    %swap3A_113 = tpu.vector_load %arg5[%swap3A_111, %swap3A_112] {strides = array<i32>} : memref<8x128xf32, #tpu.memory_space<vmem>>, vector<1x16xf32>,
    %swap3A_114 = vector.shape_cast %swap3A_113 : vector<1x16xf32> to vector<16xf32>
    %swap3A_115 = vector.shape_cast %scan3A_79#3 : vector<16xf32> to vector<1x16xf32>
    tpu.vector_store %arg5[%swap3A_111, %swap3A_112], %swap3A_115 {strides = array<i32>} : memref<8x128xf32, #tpu.memory_space<vmem>>, vector<1x16xf32>,
    %swap3A_116 = arith.constant 3 : i32
    %swap3A_117 = arith.index_cast %swap3A_116 : i32 to index
    %swap3A_118 = arith.constant 0 : index
    %swap3A_119 = tpu.vector_load %arg5[%swap3A_117, %swap3A_118] {strides = array<i32>} : memref<8x128xf32, #tpu.memory_space<vmem>>, vector<1x16xf32>,
    %swap3A_120 = vector.shape_cast %swap3A_119 : vector<1x16xf32> to vector<16xf32>
    %swap3A_121 = vector.shape_cast %scan3A_79#3 : vector<16xf32> to vector<1x16xf32>
    tpu.vector_store %arg5[%swap3A_117, %swap3A_118], %swap3A_121 {strides = array<i32>} : memref<8x128xf32, #tpu.memory_space<vmem>>, vector<1x16xf32>,
    %swap3A_122 = arith.constant 0 : i32
    %swap3A_123 = arith.index_cast %swap3A_122 : i32 to index
    %swap3A_124 = arith.constant 64 : index
    %swap3A_125 = tpu.vector_load %arg5[%swap3A_123, %swap3A_124] {strides = array<i32>} : memref<8x128xf32, #tpu.memory_space<vmem>>, vector<1x16xf32>,
    %swap3A_126 = vector.shape_cast %swap3A_125 : vector<1x16xf32> to vector<16xf32>
    %swap3A_127 = vector.shape_cast %scan3A_79#4 : vector<16xf32> to vector<1x16xf32>
    tpu.vector_store %arg5[%swap3A_123, %swap3A_124], %swap3A_127 {strides = array<i32>} : memref<8x128xf32, #tpu.memory_space<vmem>>, vector<1x16xf32>,
    %swap3A_128 = arith.constant 4 : i32
    %swap3A_129 = arith.index_cast %swap3A_128 : i32 to index
    %swap3A_130 = arith.constant 0 : index
    %swap3A_131 = tpu.vector_load %arg5[%swap3A_129, %swap3A_130] {strides = array<i32>} : memref<8x128xf32, #tpu.memory_space<vmem>>, vector<1x16xf32>,
    %swap3A_132 = vector.shape_cast %swap3A_131 : vector<1x16xf32> to vector<16xf32>
    %swap3A_133 = vector.shape_cast %scan3A_79#4 : vector<16xf32> to vector<1x16xf32>
    tpu.vector_store %arg5[%swap3A_129, %swap3A_130], %swap3A_133 {strides = array<i32>} : memref<8x128xf32, #tpu.memory_space<vmem>>, vector<1x16xf32>,
    %swap3A_134 = arith.constant 0 : i32
    %swap3A_135 = arith.index_cast %swap3A_134 : i32 to index
    %swap3A_136 = arith.constant 80 : index
    %swap3A_137 = tpu.vector_load %arg5[%swap3A_135, %swap3A_136] {strides = array<i32>} : memref<8x128xf32, #tpu.memory_space<vmem>>, vector<1x16xf32>,
    %swap3A_138 = vector.shape_cast %swap3A_137 : vector<1x16xf32> to vector<16xf32>
    %swap3A_139 = vector.shape_cast %scan3A_79#5 : vector<16xf32> to vector<1x16xf32>
    tpu.vector_store %arg5[%swap3A_135, %swap3A_136], %swap3A_139 {strides = array<i32>} : memref<8x128xf32, #tpu.memory_space<vmem>>, vector<1x16xf32>,
    %swap3A_140 = arith.constant 5 : i32
    %swap3A_141 = arith.index_cast %swap3A_140 : i32 to index
    %swap3A_142 = arith.constant 0 : index
    %swap3A_143 = tpu.vector_load %arg5[%swap3A_141, %swap3A_142] {strides = array<i32>} : memref<8x128xf32, #tpu.memory_space<vmem>>, vector<1x16xf32>,
    %swap3A_144 = vector.shape_cast %swap3A_143 : vector<1x16xf32> to vector<16xf32>
    %swap3A_145 = vector.shape_cast %scan3A_79#5 : vector<16xf32> to vector<1x16xf32>
    tpu.vector_store %arg5[%swap3A_141, %swap3A_142], %swap3A_145 {strides = array<i32>} : memref<8x128xf32, #tpu.memory_space<vmem>>, vector<1x16xf32>,
    %swap3A_146 = arith.constant 0 : i32
    %swap3A_147 = arith.index_cast %swap3A_146 : i32 to index
    %swap3A_148 = arith.constant 96 : index
    %swap3A_149 = tpu.vector_load %arg5[%swap3A_147, %swap3A_148] {strides = array<i32>} : memref<8x128xf32, #tpu.memory_space<vmem>>, vector<1x16xf32>,
    %swap3A_150 = vector.shape_cast %swap3A_149 : vector<1x16xf32> to vector<16xf32>
    %swap3A_151 = vector.shape_cast %scan3A_79#6 : vector<16xf32> to vector<1x16xf32>
    tpu.vector_store %arg5[%swap3A_147, %swap3A_148], %swap3A_151 {strides = array<i32>} : memref<8x128xf32, #tpu.memory_space<vmem>>, vector<1x16xf32>,
    %swap3A_152 = arith.constant 6 : i32
    %swap3A_153 = arith.index_cast %swap3A_152 : i32 to index
    %swap3A_154 = arith.constant 0 : index
    %swap3A_155 = tpu.vector_load %arg5[%swap3A_153, %swap3A_154] {strides = array<i32>} : memref<8x128xf32, #tpu.memory_space<vmem>>, vector<1x16xf32>,
    %swap3A_156 = vector.shape_cast %swap3A_155 : vector<1x16xf32> to vector<16xf32>
    %swap3A_157 = vector.shape_cast %scan3A_79#6 : vector<16xf32> to vector<1x16xf32>
    tpu.vector_store %arg5[%swap3A_153, %swap3A_154], %swap3A_157 {strides = array<i32>} : memref<8x128xf32, #tpu.memory_space<vmem>>, vector<1x16xf32>,
    %swap3A_158 = arith.constant 0 : i32
    %swap3A_159 = arith.index_cast %swap3A_158 : i32 to index
    %swap3A_160 = arith.constant 112 : index
    %swap3A_161 = tpu.vector_load %arg5[%swap3A_159, %swap3A_160] {strides = array<i32>} : memref<8x128xf32, #tpu.memory_space<vmem>>, vector<1x16xf32>,
    %swap3A_162 = vector.shape_cast %swap3A_161 : vector<1x16xf32> to vector<16xf32>
    %swap3A_163 = vector.shape_cast %scan3A_79#7 : vector<16xf32> to vector<1x16xf32>
    tpu.vector_store %arg5[%swap3A_159, %swap3A_160], %swap3A_163 {strides = array<i32>} : memref<8x128xf32, #tpu.memory_space<vmem>>, vector<1x16xf32>,
    %swap3A_164 = arith.constant 7 : i32
    %swap3A_165 = arith.index_cast %swap3A_164 : i32 to index
    %swap3A_166 = arith.constant 0 : index
    %swap3A_167 = tpu.vector_load %arg5[%swap3A_165, %swap3A_166] {strides = array<i32>} : memref<8x128xf32, #tpu.memory_space<vmem>>, vector<1x16xf32>,
    %swap3A_168 = vector.shape_cast %swap3A_167 : vector<1x16xf32> to vector<16xf32>
    %swap3A_169 = vector.shape_cast %scan3A_79#7 : vector<16xf32> to vector<1x16xf32>
    tpu.vector_store %arg5[%swap3A_165, %swap3A_166], %swap3A_169 {strides = array<i32>} : memref<8x128xf32, #tpu.memory_space<vmem>>, vector<1x16xf32>,
    %swap3A_170 = arith.constant 1 : i32
    %swap3A_171 = arith.index_cast %swap3A_170 : i32 to index
    %swap3A_172 = arith.constant 16 : index
    %swap3A_173 = tpu.vector_load %arg5[%swap3A_171, %swap3A_172] {strides = array<i32>} : memref<8x128xf32, #tpu.memory_space<vmem>>, vector<1x16xf32>,
    %swap3A_174 = vector.shape_cast %swap3A_173 : vector<1x16xf32> to vector<16xf32>
    %swap3A_175 = vector.shape_cast %scan3A_79#8 : vector<16xf32> to vector<1x16xf32>
    tpu.vector_store %arg5[%swap3A_171, %swap3A_172], %swap3A_175 {strides = array<i32>} : memref<8x128xf32, #tpu.memory_space<vmem>>, vector<1x16xf32>,
    %swap3A_176 = arith.constant 1 : i32
    %swap3A_177 = arith.index_cast %swap3A_176 : i32 to index
    %swap3A_178 = arith.constant 32 : index
    %swap3A_179 = tpu.vector_load %arg5[%swap3A_177, %swap3A_178] {strides = array<i32>} : memref<8x128xf32, #tpu.memory_space<vmem>>, vector<1x16xf32>,
    %swap3A_180 = vector.shape_cast %swap3A_179 : vector<1x16xf32> to vector<16xf32>
    %swap3A_181 = vector.shape_cast %scan3A_79#9 : vector<16xf32> to vector<1x16xf32>
    tpu.vector_store %arg5[%swap3A_177, %swap3A_178], %swap3A_181 {strides = array<i32>} : memref<8x128xf32, #tpu.memory_space<vmem>>, vector<1x16xf32>,
    %swap3A_182 = arith.constant 2 : i32
    %swap3A_183 = arith.index_cast %swap3A_182 : i32 to index
    %swap3A_184 = arith.constant 16 : index
    %swap3A_185 = tpu.vector_load %arg5[%swap3A_183, %swap3A_184] {strides = array<i32>} : memref<8x128xf32, #tpu.memory_space<vmem>>, vector<1x16xf32>,
    %swap3A_186 = vector.shape_cast %swap3A_185 : vector<1x16xf32> to vector<16xf32>
    %swap3A_187 = vector.shape_cast %scan3A_79#9 : vector<16xf32> to vector<1x16xf32>
    tpu.vector_store %arg5[%swap3A_183, %swap3A_184], %swap3A_187 {strides = array<i32>} : memref<8x128xf32, #tpu.memory_space<vmem>>, vector<1x16xf32>,
    %swap3A_188 = arith.constant 1 : i32
    %swap3A_189 = arith.index_cast %swap3A_188 : i32 to index
    %swap3A_190 = arith.constant 48 : index
    %swap3A_191 = tpu.vector_load %arg5[%swap3A_189, %swap3A_190] {strides = array<i32>} : memref<8x128xf32, #tpu.memory_space<vmem>>, vector<1x16xf32>,
    %swap3A_192 = vector.shape_cast %swap3A_191 : vector<1x16xf32> to vector<16xf32>
    %swap3A_193 = vector.shape_cast %scan3A_79#10 : vector<16xf32> to vector<1x16xf32>
    tpu.vector_store %arg5[%swap3A_189, %swap3A_190], %swap3A_193 {strides = array<i32>} : memref<8x128xf32, #tpu.memory_space<vmem>>, vector<1x16xf32>,
    %swap3A_194 = arith.constant 3 : i32
    %swap3A_195 = arith.index_cast %swap3A_194 : i32 to index
    %swap3A_196 = arith.constant 16 : index
    %swap3A_197 = tpu.vector_load %arg5[%swap3A_195, %swap3A_196] {strides = array<i32>} : memref<8x128xf32, #tpu.memory_space<vmem>>, vector<1x16xf32>,
    %swap3A_198 = vector.shape_cast %swap3A_197 : vector<1x16xf32> to vector<16xf32>
    %swap3A_199 = vector.shape_cast %scan3A_79#10 : vector<16xf32> to vector<1x16xf32>
    tpu.vector_store %arg5[%swap3A_195, %swap3A_196], %swap3A_199 {strides = array<i32>} : memref<8x128xf32, #tpu.memory_space<vmem>>, vector<1x16xf32>,
    %swap3A_200 = arith.constant 1 : i32
    %swap3A_201 = arith.index_cast %swap3A_200 : i32 to index
    %swap3A_202 = arith.constant 64 : index
    %swap3A_203 = tpu.vector_load %arg5[%swap3A_201, %swap3A_202] {strides = array<i32>} : memref<8x128xf32, #tpu.memory_space<vmem>>, vector<1x16xf32>,
    %swap3A_204 = vector.shape_cast %swap3A_203 : vector<1x16xf32> to vector<16xf32>
    %swap3A_205 = vector.shape_cast %scan3A_79#11 : vector<16xf32> to vector<1x16xf32>
    tpu.vector_store %arg5[%swap3A_201, %swap3A_202], %swap3A_205 {strides = array<i32>} : memref<8x128xf32, #tpu.memory_space<vmem>>, vector<1x16xf32>,
    %swap3A_206 = arith.constant 4 : i32
    %swap3A_207 = arith.index_cast %swap3A_206 : i32 to index
    %swap3A_208 = arith.constant 16 : index
    %swap3A_209 = tpu.vector_load %arg5[%swap3A_207, %swap3A_208] {strides = array<i32>} : memref<8x128xf32, #tpu.memory_space<vmem>>, vector<1x16xf32>,
    %swap3A_210 = vector.shape_cast %swap3A_209 : vector<1x16xf32> to vector<16xf32>
    %swap3A_211 = vector.shape_cast %scan3A_79#11 : vector<16xf32> to vector<1x16xf32>
    tpu.vector_store %arg5[%swap3A_207, %swap3A_208], %swap3A_211 {strides = array<i32>} : memref<8x128xf32, #tpu.memory_space<vmem>>, vector<1x16xf32>,
    %swap3A_212 = arith.constant 1 : i32
    %swap3A_213 = arith.index_cast %swap3A_212 : i32 to index
    %swap3A_214 = arith.constant 80 : index
    %swap3A_215 = tpu.vector_load %arg5[%swap3A_213, %swap3A_214] {strides = array<i32>} : memref<8x128xf32, #tpu.memory_space<vmem>>, vector<1x16xf32>,
    %swap3A_216 = vector.shape_cast %swap3A_215 : vector<1x16xf32> to vector<16xf32>
    %swap3A_217 = vector.shape_cast %scan3A_79#12 : vector<16xf32> to vector<1x16xf32>
    tpu.vector_store %arg5[%swap3A_213, %swap3A_214], %swap3A_217 {strides = array<i32>} : memref<8x128xf32, #tpu.memory_space<vmem>>, vector<1x16xf32>,
    %swap3A_218 = arith.constant 5 : i32
    %swap3A_219 = arith.index_cast %swap3A_218 : i32 to index
    %swap3A_220 = arith.constant 16 : index
    %swap3A_221 = tpu.vector_load %arg5[%swap3A_219, %swap3A_220] {strides = array<i32>} : memref<8x128xf32, #tpu.memory_space<vmem>>, vector<1x16xf32>,
    %swap3A_222 = vector.shape_cast %swap3A_221 : vector<1x16xf32> to vector<16xf32>
    %swap3A_223 = vector.shape_cast %scan3A_79#12 : vector<16xf32> to vector<1x16xf32>
    tpu.vector_store %arg5[%swap3A_219, %swap3A_220], %swap3A_223 {strides = array<i32>} : memref<8x128xf32, #tpu.memory_space<vmem>>, vector<1x16xf32>,
    %swap3A_224 = arith.constant 1 : i32
    %swap3A_225 = arith.index_cast %swap3A_224 : i32 to index
    %swap3A_226 = arith.constant 96 : index
    %swap3A_227 = tpu.vector_load %arg5[%swap3A_225, %swap3A_226] {strides = array<i32>} : memref<8x128xf32, #tpu.memory_space<vmem>>, vector<1x16xf32>,
    %swap3A_228 = vector.shape_cast %swap3A_227 : vector<1x16xf32> to vector<16xf32>
    %swap3A_229 = vector.shape_cast %scan3A_79#13 : vector<16xf32> to vector<1x16xf32>
    tpu.vector_store %arg5[%swap3A_225, %swap3A_226], %swap3A_229 {strides = array<i32>} : memref<8x128xf32, #tpu.memory_space<vmem>>, vector<1x16xf32>,
    %swap3A_230 = arith.constant 6 : i32
    %swap3A_231 = arith.index_cast %swap3A_230 : i32 to index
    %swap3A_232 = arith.constant 16 : index
    %swap3A_233 = tpu.vector_load %arg5[%swap3A_231, %swap3A_232] {strides = array<i32>} : memref<8x128xf32, #tpu.memory_space<vmem>>, vector<1x16xf32>,
    %swap3A_234 = vector.shape_cast %swap3A_233 : vector<1x16xf32> to vector<16xf32>
    %swap3A_235 = vector.shape_cast %scan3A_79#13 : vector<16xf32> to vector<1x16xf32>
    tpu.vector_store %arg5[%swap3A_231, %swap3A_232], %swap3A_235 {strides = array<i32>} : memref<8x128xf32, #tpu.memory_space<vmem>>, vector<1x16xf32>,
    %swap3A_236 = arith.constant 1 : i32
    %swap3A_237 = arith.index_cast %swap3A_236 : i32 to index
    %swap3A_238 = arith.constant 112 : index
    %swap3A_239 = tpu.vector_load %arg5[%swap3A_237, %swap3A_238] {strides = array<i32>} : memref<8x128xf32, #tpu.memory_space<vmem>>, vector<1x16xf32>,
    %swap3A_240 = vector.shape_cast %swap3A_239 : vector<1x16xf32> to vector<16xf32>
    %swap3A_241 = vector.shape_cast %scan3A_79#14 : vector<16xf32> to vector<1x16xf32>
    tpu.vector_store %arg5[%swap3A_237, %swap3A_238], %swap3A_241 {strides = array<i32>} : memref<8x128xf32, #tpu.memory_space<vmem>>, vector<1x16xf32>,
    %swap3A_242 = arith.constant 7 : i32
    %swap3A_243 = arith.index_cast %swap3A_242 : i32 to index
    %swap3A_244 = arith.constant 16 : index
    %swap3A_245 = tpu.vector_load %arg5[%swap3A_243, %swap3A_244] {strides = array<i32>} : memref<8x128xf32, #tpu.memory_space<vmem>>, vector<1x16xf32>,
    %swap3A_246 = vector.shape_cast %swap3A_245 : vector<1x16xf32> to vector<16xf32>
    %swap3A_247 = vector.shape_cast %scan3A_79#14 : vector<16xf32> to vector<1x16xf32>
    tpu.vector_store %arg5[%swap3A_243, %swap3A_244], %swap3A_247 {strides = array<i32>} : memref<8x128xf32, #tpu.memory_space<vmem>>, vector<1x16xf32>,
    %swap3A_248 = arith.constant 2 : i32
    %swap3A_249 = arith.index_cast %swap3A_248 : i32 to index
    %swap3A_250 = arith.constant 32 : index
    %swap3A_251 = tpu.vector_load %arg5[%swap3A_249, %swap3A_250] {strides = array<i32>} : memref<8x128xf32, #tpu.memory_space<vmem>>, vector<1x16xf32>,
    %swap3A_252 = vector.shape_cast %swap3A_251 : vector<1x16xf32> to vector<16xf32>
    %swap3A_253 = vector.shape_cast %scan3A_79#15 : vector<16xf32> to vector<1x16xf32>
    tpu.vector_store %arg5[%swap3A_249, %swap3A_250], %swap3A_253 {strides = array<i32>} : memref<8x128xf32, #tpu.memory_space<vmem>>, vector<1x16xf32>,
    %swap3A_254 = arith.constant 2 : i32
    %swap3A_255 = arith.index_cast %swap3A_254 : i32 to index
    %swap3A_256 = arith.constant 48 : index
    %swap3A_257 = tpu.vector_load %arg5[%swap3A_255, %swap3A_256] {strides = array<i32>} : memref<8x128xf32, #tpu.memory_space<vmem>>, vector<1x16xf32>,
    %swap3A_258 = vector.shape_cast %swap3A_257 : vector<1x16xf32> to vector<16xf32>
    %swap3A_259 = vector.shape_cast %scan3A_79#16 : vector<16xf32> to vector<1x16xf32>
    tpu.vector_store %arg5[%swap3A_255, %swap3A_256], %swap3A_259 {strides = array<i32>} : memref<8x128xf32, #tpu.memory_space<vmem>>, vector<1x16xf32>,
    %swap3A_260 = arith.constant 3 : i32
    %swap3A_261 = arith.index_cast %swap3A_260 : i32 to index
    %swap3A_262 = arith.constant 32 : index
    %swap3A_263 = tpu.vector_load %arg5[%swap3A_261, %swap3A_262] {strides = array<i32>} : memref<8x128xf32, #tpu.memory_space<vmem>>, vector<1x16xf32>,
    %swap3A_264 = vector.shape_cast %swap3A_263 : vector<1x16xf32> to vector<16xf32>
    %swap3A_265 = vector.shape_cast %scan3A_79#16 : vector<16xf32> to vector<1x16xf32>
    tpu.vector_store %arg5[%swap3A_261, %swap3A_262], %swap3A_265 {strides = array<i32>} : memref<8x128xf32, #tpu.memory_space<vmem>>, vector<1x16xf32>,
    %swap3A_266 = arith.constant 2 : i32
    %swap3A_267 = arith.index_cast %swap3A_266 : i32 to index
    %swap3A_268 = arith.constant 64 : index
    %swap3A_269 = tpu.vector_load %arg5[%swap3A_267, %swap3A_268] {strides = array<i32>} : memref<8x128xf32, #tpu.memory_space<vmem>>, vector<1x16xf32>,
    %swap3A_270 = vector.shape_cast %swap3A_269 : vector<1x16xf32> to vector<16xf32>
    %swap3A_271 = vector.shape_cast %scan3A_79#17 : vector<16xf32> to vector<1x16xf32>
    tpu.vector_store %arg5[%swap3A_267, %swap3A_268], %swap3A_271 {strides = array<i32>} : memref<8x128xf32, #tpu.memory_space<vmem>>, vector<1x16xf32>,
    %swap3A_272 = arith.constant 4 : i32
    %swap3A_273 = arith.index_cast %swap3A_272 : i32 to index
    %swap3A_274 = arith.constant 32 : index
    %swap3A_275 = tpu.vector_load %arg5[%swap3A_273, %swap3A_274] {strides = array<i32>} : memref<8x128xf32, #tpu.memory_space<vmem>>, vector<1x16xf32>,
    %swap3A_276 = vector.shape_cast %swap3A_275 : vector<1x16xf32> to vector<16xf32>
    %swap3A_277 = vector.shape_cast %scan3A_79#17 : vector<16xf32> to vector<1x16xf32>
    tpu.vector_store %arg5[%swap3A_273, %swap3A_274], %swap3A_277 {strides = array<i32>} : memref<8x128xf32, #tpu.memory_space<vmem>>, vector<1x16xf32>,
    %swap3A_278 = arith.constant 2 : i32
    %swap3A_279 = arith.index_cast %swap3A_278 : i32 to index
    %swap3A_280 = arith.constant 80 : index
    %swap3A_281 = tpu.vector_load %arg5[%swap3A_279, %swap3A_280] {strides = array<i32>} : memref<8x128xf32, #tpu.memory_space<vmem>>, vector<1x16xf32>,
    %swap3A_282 = vector.shape_cast %swap3A_281 : vector<1x16xf32> to vector<16xf32>
    %swap3A_283 = vector.shape_cast %scan3A_79#18 : vector<16xf32> to vector<1x16xf32>
    tpu.vector_store %arg5[%swap3A_279, %swap3A_280], %swap3A_283 {strides = array<i32>} : memref<8x128xf32, #tpu.memory_space<vmem>>, vector<1x16xf32>,
    %swap3A_284 = arith.constant 5 : i32
    %swap3A_285 = arith.index_cast %swap3A_284 : i32 to index
    %swap3A_286 = arith.constant 32 : index
    %swap3A_287 = tpu.vector_load %arg5[%swap3A_285, %swap3A_286] {strides = array<i32>} : memref<8x128xf32, #tpu.memory_space<vmem>>, vector<1x16xf32>,
    %swap3A_288 = vector.shape_cast %swap3A_287 : vector<1x16xf32> to vector<16xf32>
    %swap3A_289 = vector.shape_cast %scan3A_79#18 : vector<16xf32> to vector<1x16xf32>
    tpu.vector_store %arg5[%swap3A_285, %swap3A_286], %swap3A_289 {strides = array<i32>} : memref<8x128xf32, #tpu.memory_space<vmem>>, vector<1x16xf32>,
    %swap3A_290 = arith.constant 2 : i32
    %swap3A_291 = arith.index_cast %swap3A_290 : i32 to index
    %swap3A_292 = arith.constant 96 : index
    %swap3A_293 = tpu.vector_load %arg5[%swap3A_291, %swap3A_292] {strides = array<i32>} : memref<8x128xf32, #tpu.memory_space<vmem>>, vector<1x16xf32>,
    %swap3A_294 = vector.shape_cast %swap3A_293 : vector<1x16xf32> to vector<16xf32>
    %swap3A_295 = vector.shape_cast %scan3A_79#19 : vector<16xf32> to vector<1x16xf32>
    tpu.vector_store %arg5[%swap3A_291, %swap3A_292], %swap3A_295 {strides = array<i32>} : memref<8x128xf32, #tpu.memory_space<vmem>>, vector<1x16xf32>,
    %swap3A_296 = arith.constant 6 : i32
    %swap3A_297 = arith.index_cast %swap3A_296 : i32 to index
    %swap3A_298 = arith.constant 32 : index
    %swap3A_299 = tpu.vector_load %arg5[%swap3A_297, %swap3A_298] {strides = array<i32>} : memref<8x128xf32, #tpu.memory_space<vmem>>, vector<1x16xf32>,
    %swap3A_300 = vector.shape_cast %swap3A_299 : vector<1x16xf32> to vector<16xf32>
    %swap3A_301 = vector.shape_cast %scan3A_79#19 : vector<16xf32> to vector<1x16xf32>
    tpu.vector_store %arg5[%swap3A_297, %swap3A_298], %swap3A_301 {strides = array<i32>} : memref<8x128xf32, #tpu.memory_space<vmem>>, vector<1x16xf32>,
    %swap3A_302 = arith.constant 2 : i32
    %swap3A_303 = arith.index_cast %swap3A_302 : i32 to index
    %swap3A_304 = arith.constant 112 : index
    %swap3A_305 = tpu.vector_load %arg5[%swap3A_303, %swap3A_304] {strides = array<i32>} : memref<8x128xf32, #tpu.memory_space<vmem>>, vector<1x16xf32>,
    %swap3A_306 = vector.shape_cast %swap3A_305 : vector<1x16xf32> to vector<16xf32>
    %swap3A_307 = vector.shape_cast %scan3A_79#20 : vector<16xf32> to vector<1x16xf32>
    tpu.vector_store %arg5[%swap3A_303, %swap3A_304], %swap3A_307 {strides = array<i32>} : memref<8x128xf32, #tpu.memory_space<vmem>>, vector<1x16xf32>,
    %swap3A_308 = arith.constant 7 : i32
    %swap3A_309 = arith.index_cast %swap3A_308 : i32 to index
    %swap3A_310 = arith.constant 32 : index
    %swap3A_311 = tpu.vector_load %arg5[%swap3A_309, %swap3A_310] {strides = array<i32>} : memref<8x128xf32, #tpu.memory_space<vmem>>, vector<1x16xf32>,
    %swap3A_312 = vector.shape_cast %swap3A_311 : vector<1x16xf32> to vector<16xf32>
    %swap3A_313 = vector.shape_cast %scan3A_79#20 : vector<16xf32> to vector<1x16xf32>
    tpu.vector_store %arg5[%swap3A_309, %swap3A_310], %swap3A_313 {strides = array<i32>} : memref<8x128xf32, #tpu.memory_space<vmem>>, vector<1x16xf32>,
    %swap3A_314 = arith.constant 3 : i32
    %swap3A_315 = arith.index_cast %swap3A_314 : i32 to index
    %swap3A_316 = arith.constant 48 : index
    %swap3A_317 = tpu.vector_load %arg5[%swap3A_315, %swap3A_316] {strides = array<i32>} : memref<8x128xf32, #tpu.memory_space<vmem>>, vector<1x16xf32>,
    %swap3A_318 = vector.shape_cast %swap3A_317 : vector<1x16xf32> to vector<16xf32>
    %swap3A_319 = vector.shape_cast %scan3A_79#21 : vector<16xf32> to vector<1x16xf32>
    tpu.vector_store %arg5[%swap3A_315, %swap3A_316], %swap3A_319 {strides = array<i32>} : memref<8x128xf32, #tpu.memory_space<vmem>>, vector<1x16xf32>,
    %swap3A_320 = arith.constant 3 : i32
    %swap3A_321 = arith.index_cast %swap3A_320 : i32 to index
    %swap3A_322 = arith.constant 64 : index
    %swap3A_323 = tpu.vector_load %arg5[%swap3A_321, %swap3A_322] {strides = array<i32>} : memref<8x128xf32, #tpu.memory_space<vmem>>, vector<1x16xf32>,
    %swap3A_324 = vector.shape_cast %swap3A_323 : vector<1x16xf32> to vector<16xf32>
    %swap3A_325 = vector.shape_cast %scan3A_79#22 : vector<16xf32> to vector<1x16xf32>
    tpu.vector_store %arg5[%swap3A_321, %swap3A_322], %swap3A_325 {strides = array<i32>} : memref<8x128xf32, #tpu.memory_space<vmem>>, vector<1x16xf32>,
    %swap3A_326 = arith.constant 4 : i32
    %swap3A_327 = arith.index_cast %swap3A_326 : i32 to index
    %swap3A_328 = arith.constant 48 : index
    %swap3A_329 = tpu.vector_load %arg5[%swap3A_327, %swap3A_328] {strides = array<i32>} : memref<8x128xf32, #tpu.memory_space<vmem>>, vector<1x16xf32>,
    %swap3A_330 = vector.shape_cast %swap3A_329 : vector<1x16xf32> to vector<16xf32>
    %swap3A_331 = vector.shape_cast %scan3A_79#22 : vector<16xf32> to vector<1x16xf32>
    tpu.vector_store %arg5[%swap3A_327, %swap3A_328], %swap3A_331 {strides = array<i32>} : memref<8x128xf32, #tpu.memory_space<vmem>>, vector<1x16xf32>,
    %swap3A_332 = arith.constant 3 : i32
    %swap3A_333 = arith.index_cast %swap3A_332 : i32 to index
    %swap3A_334 = arith.constant 80 : index
    %swap3A_335 = tpu.vector_load %arg5[%swap3A_333, %swap3A_334] {strides = array<i32>} : memref<8x128xf32, #tpu.memory_space<vmem>>, vector<1x16xf32>,
    %swap3A_336 = vector.shape_cast %swap3A_335 : vector<1x16xf32> to vector<16xf32>
    %swap3A_337 = vector.shape_cast %scan3A_79#23 : vector<16xf32> to vector<1x16xf32>
    tpu.vector_store %arg5[%swap3A_333, %swap3A_334], %swap3A_337 {strides = array<i32>} : memref<8x128xf32, #tpu.memory_space<vmem>>, vector<1x16xf32>,
    %swap3A_338 = arith.constant 5 : i32
    %swap3A_339 = arith.index_cast %swap3A_338 : i32 to index
    %swap3A_340 = arith.constant 48 : index
    %swap3A_341 = tpu.vector_load %arg5[%swap3A_339, %swap3A_340] {strides = array<i32>} : memref<8x128xf32, #tpu.memory_space<vmem>>, vector<1x16xf32>,
    %swap3A_342 = vector.shape_cast %swap3A_341 : vector<1x16xf32> to vector<16xf32>
    %swap3A_343 = vector.shape_cast %scan3A_79#23 : vector<16xf32> to vector<1x16xf32>
    tpu.vector_store %arg5[%swap3A_339, %swap3A_340], %swap3A_343 {strides = array<i32>} : memref<8x128xf32, #tpu.memory_space<vmem>>, vector<1x16xf32>,
    %swap3A_344 = arith.constant 3 : i32
    %swap3A_345 = arith.index_cast %swap3A_344 : i32 to index
    %swap3A_346 = arith.constant 96 : index
    %swap3A_347 = tpu.vector_load %arg5[%swap3A_345, %swap3A_346] {strides = array<i32>} : memref<8x128xf32, #tpu.memory_space<vmem>>, vector<1x16xf32>,
    %swap3A_348 = vector.shape_cast %swap3A_347 : vector<1x16xf32> to vector<16xf32>
    %swap3A_349 = vector.shape_cast %scan3A_79#24 : vector<16xf32> to vector<1x16xf32>
    tpu.vector_store %arg5[%swap3A_345, %swap3A_346], %swap3A_349 {strides = array<i32>} : memref<8x128xf32, #tpu.memory_space<vmem>>, vector<1x16xf32>,
    %swap3A_350 = arith.constant 6 : i32
    %swap3A_351 = arith.index_cast %swap3A_350 : i32 to index
    %swap3A_352 = arith.constant 48 : index
    %swap3A_353 = tpu.vector_load %arg5[%swap3A_351, %swap3A_352] {strides = array<i32>} : memref<8x128xf32, #tpu.memory_space<vmem>>, vector<1x16xf32>,
    %swap3A_354 = vector.shape_cast %swap3A_353 : vector<1x16xf32> to vector<16xf32>
    %swap3A_355 = vector.shape_cast %scan3A_79#24 : vector<16xf32> to vector<1x16xf32>
    tpu.vector_store %arg5[%swap3A_351, %swap3A_352], %swap3A_355 {strides = array<i32>} : memref<8x128xf32, #tpu.memory_space<vmem>>, vector<1x16xf32>,
    %swap3A_356 = arith.constant 3 : i32
    %swap3A_357 = arith.index_cast %swap3A_356 : i32 to index
    %swap3A_358 = arith.constant 112 : index
    %swap3A_359 = tpu.vector_load %arg5[%swap3A_357, %swap3A_358] {strides = array<i32>} : memref<8x128xf32, #tpu.memory_space<vmem>>, vector<1x16xf32>,
    %swap3A_360 = vector.shape_cast %swap3A_359 : vector<1x16xf32> to vector<16xf32>
    %swap3A_361 = vector.shape_cast %scan3A_79#25 : vector<16xf32> to vector<1x16xf32>
    tpu.vector_store %arg5[%swap3A_357, %swap3A_358], %swap3A_361 {strides = array<i32>} : memref<8x128xf32, #tpu.memory_space<vmem>>, vector<1x16xf32>,
    %swap3A_362 = arith.constant 7 : i32
    %swap3A_363 = arith.index_cast %swap3A_362 : i32 to index
    %swap3A_364 = arith.constant 48 : index
    %swap3A_365 = tpu.vector_load %arg5[%swap3A_363, %swap3A_364] {strides = array<i32>} : memref<8x128xf32, #tpu.memory_space<vmem>>, vector<1x16xf32>,
    %swap3A_366 = vector.shape_cast %swap3A_365 : vector<1x16xf32> to vector<16xf32>
    %swap3A_367 = vector.shape_cast %scan3A_79#25 : vector<16xf32> to vector<1x16xf32>
    tpu.vector_store %arg5[%swap3A_363, %swap3A_364], %swap3A_367 {strides = array<i32>} : memref<8x128xf32, #tpu.memory_space<vmem>>, vector<1x16xf32>,
    %swap3A_368 = arith.constant 4 : i32
    %swap3A_369 = arith.index_cast %swap3A_368 : i32 to index
    %swap3A_370 = arith.constant 64 : index
    %swap3A_371 = tpu.vector_load %arg5[%swap3A_369, %swap3A_370] {strides = array<i32>} : memref<8x128xf32, #tpu.memory_space<vmem>>, vector<1x16xf32>,
    %swap3A_372 = vector.shape_cast %swap3A_371 : vector<1x16xf32> to vector<16xf32>
    %swap3A_373 = vector.shape_cast %scan3A_79#26 : vector<16xf32> to vector<1x16xf32>
    tpu.vector_store %arg5[%swap3A_369, %swap3A_370], %swap3A_373 {strides = array<i32>} : memref<8x128xf32, #tpu.memory_space<vmem>>, vector<1x16xf32>,
    %swap3A_374 = arith.constant 4 : i32
    %swap3A_375 = arith.index_cast %swap3A_374 : i32 to index
    %swap3A_376 = arith.constant 80 : index
    %swap3A_377 = tpu.vector_load %arg5[%swap3A_375, %swap3A_376] {strides = array<i32>} : memref<8x128xf32, #tpu.memory_space<vmem>>, vector<1x16xf32>,
    %swap3A_378 = vector.shape_cast %swap3A_377 : vector<1x16xf32> to vector<16xf32>
    %swap3A_379 = vector.shape_cast %scan3A_79#27 : vector<16xf32> to vector<1x16xf32>
    tpu.vector_store %arg5[%swap3A_375, %swap3A_376], %swap3A_379 {strides = array<i32>} : memref<8x128xf32, #tpu.memory_space<vmem>>, vector<1x16xf32>,
    %swap3A_380 = arith.constant 5 : i32
    %swap3A_381 = arith.index_cast %swap3A_380 : i32 to index
    %swap3A_382 = arith.constant 64 : index
    %swap3A_383 = tpu.vector_load %arg5[%swap3A_381, %swap3A_382] {strides = array<i32>} : memref<8x128xf32, #tpu.memory_space<vmem>>, vector<1x16xf32>,
    %swap3A_384 = vector.shape_cast %swap3A_383 : vector<1x16xf32> to vector<16xf32>
    %swap3A_385 = vector.shape_cast %scan3A_79#27 : vector<16xf32> to vector<1x16xf32>
    tpu.vector_store %arg5[%swap3A_381, %swap3A_382], %swap3A_385 {strides = array<i32>} : memref<8x128xf32, #tpu.memory_space<vmem>>, vector<1x16xf32>,
    %swap3A_386 = arith.constant 4 : i32
    %swap3A_387 = arith.index_cast %swap3A_386 : i32 to index
    %swap3A_388 = arith.constant 96 : index
    %swap3A_389 = tpu.vector_load %arg5[%swap3A_387, %swap3A_388] {strides = array<i32>} : memref<8x128xf32, #tpu.memory_space<vmem>>, vector<1x16xf32>,
    %swap3A_390 = vector.shape_cast %swap3A_389 : vector<1x16xf32> to vector<16xf32>
    %swap3A_391 = vector.shape_cast %scan3A_79#28 : vector<16xf32> to vector<1x16xf32>
    tpu.vector_store %arg5[%swap3A_387, %swap3A_388], %swap3A_391 {strides = array<i32>} : memref<8x128xf32, #tpu.memory_space<vmem>>, vector<1x16xf32>,
    %swap3A_392 = arith.constant 6 : i32
    %swap3A_393 = arith.index_cast %swap3A_392 : i32 to index
    %swap3A_394 = arith.constant 64 : index
    %swap3A_395 = tpu.vector_load %arg5[%swap3A_393, %swap3A_394] {strides = array<i32>} : memref<8x128xf32, #tpu.memory_space<vmem>>, vector<1x16xf32>,
    %swap3A_396 = vector.shape_cast %swap3A_395 : vector<1x16xf32> to vector<16xf32>
    %swap3A_397 = vector.shape_cast %scan3A_79#28 : vector<16xf32> to vector<1x16xf32>
    tpu.vector_store %arg5[%swap3A_393, %swap3A_394], %swap3A_397 {strides = array<i32>} : memref<8x128xf32, #tpu.memory_space<vmem>>, vector<1x16xf32>,
    %swap3A_398 = arith.constant 4 : i32
    %swap3A_399 = arith.index_cast %swap3A_398 : i32 to index
    %swap3A_400 = arith.constant 112 : index
    %swap3A_401 = tpu.vector_load %arg5[%swap3A_399, %swap3A_400] {strides = array<i32>} : memref<8x128xf32, #tpu.memory_space<vmem>>, vector<1x16xf32>,
    %swap3A_402 = vector.shape_cast %swap3A_401 : vector<1x16xf32> to vector<16xf32>
    %swap3A_403 = vector.shape_cast %scan3A_79#29 : vector<16xf32> to vector<1x16xf32>
    tpu.vector_store %arg5[%swap3A_399, %swap3A_400], %swap3A_403 {strides = array<i32>} : memref<8x128xf32, #tpu.memory_space<vmem>>, vector<1x16xf32>,
    %swap3A_404 = arith.constant 7 : i32
    %swap3A_405 = arith.index_cast %swap3A_404 : i32 to index
    %swap3A_406 = arith.constant 64 : index
    %swap3A_407 = tpu.vector_load %arg5[%swap3A_405, %swap3A_406] {strides = array<i32>} : memref<8x128xf32, #tpu.memory_space<vmem>>, vector<1x16xf32>,
    %swap3A_408 = vector.shape_cast %swap3A_407 : vector<1x16xf32> to vector<16xf32>
    %swap3A_409 = vector.shape_cast %scan3A_79#29 : vector<16xf32> to vector<1x16xf32>
    tpu.vector_store %arg5[%swap3A_405, %swap3A_406], %swap3A_409 {strides = array<i32>} : memref<8x128xf32, #tpu.memory_space<vmem>>, vector<1x16xf32>,
    %swap3A_410 = arith.constant 5 : i32
    %swap3A_411 = arith.index_cast %swap3A_410 : i32 to index
    %swap3A_412 = arith.constant 80 : index
    %swap3A_413 = tpu.vector_load %arg5[%swap3A_411, %swap3A_412] {strides = array<i32>} : memref<8x128xf32, #tpu.memory_space<vmem>>, vector<1x16xf32>,
    %swap3A_414 = vector.shape_cast %swap3A_413 : vector<1x16xf32> to vector<16xf32>
    %swap3A_415 = vector.shape_cast %scan3A_79#30 : vector<16xf32> to vector<1x16xf32>
    tpu.vector_store %arg5[%swap3A_411, %swap3A_412], %swap3A_415 {strides = array<i32>} : memref<8x128xf32, #tpu.memory_space<vmem>>, vector<1x16xf32>,
    %swap3A_416 = arith.constant 5 : i32
    %swap3A_417 = arith.index_cast %swap3A_416 : i32 to index
    %swap3A_418 = arith.constant 96 : index
    %swap3A_419 = tpu.vector_load %arg5[%swap3A_417, %swap3A_418] {strides = array<i32>} : memref<8x128xf32, #tpu.memory_space<vmem>>, vector<1x16xf32>,
    %swap3A_420 = vector.shape_cast %swap3A_419 : vector<1x16xf32> to vector<16xf32>
    %swap3A_421 = vector.shape_cast %scan3A_79#31 : vector<16xf32> to vector<1x16xf32>
    tpu.vector_store %arg5[%swap3A_417, %swap3A_418], %swap3A_421 {strides = array<i32>} : memref<8x128xf32, #tpu.memory_space<vmem>>, vector<1x16xf32>,
    %swap3A_422 = arith.constant 6 : i32
    %swap3A_423 = arith.index_cast %swap3A_422 : i32 to index
    %swap3A_424 = arith.constant 80 : index
    %swap3A_425 = tpu.vector_load %arg5[%swap3A_423, %swap3A_424] {strides = array<i32>} : memref<8x128xf32, #tpu.memory_space<vmem>>, vector<1x16xf32>,
    %swap3A_426 = vector.shape_cast %swap3A_425 : vector<1x16xf32> to vector<16xf32>
    %swap3A_427 = vector.shape_cast %scan3A_79#31 : vector<16xf32> to vector<1x16xf32>
    tpu.vector_store %arg5[%swap3A_423, %swap3A_424], %swap3A_427 {strides = array<i32>} : memref<8x128xf32, #tpu.memory_space<vmem>>, vector<1x16xf32>,
    %swap3A_428 = arith.constant 5 : i32
    %swap3A_429 = arith.index_cast %swap3A_428 : i32 to index
    %swap3A_430 = arith.constant 112 : index
    %swap3A_431 = tpu.vector_load %arg5[%swap3A_429, %swap3A_430] {strides = array<i32>} : memref<8x128xf32, #tpu.memory_space<vmem>>, vector<1x16xf32>,
    %swap3A_432 = vector.shape_cast %swap3A_431 : vector<1x16xf32> to vector<16xf32>
    %swap3A_433 = vector.shape_cast %scan3A_79#32 : vector<16xf32> to vector<1x16xf32>
    tpu.vector_store %arg5[%swap3A_429, %swap3A_430], %swap3A_433 {strides = array<i32>} : memref<8x128xf32, #tpu.memory_space<vmem>>, vector<1x16xf32>,
    %swap3A_434 = arith.constant 7 : i32
    %swap3A_435 = arith.index_cast %swap3A_434 : i32 to index
    %swap3A_436 = arith.constant 80 : index
    %swap3A_437 = tpu.vector_load %arg5[%swap3A_435, %swap3A_436] {strides = array<i32>} : memref<8x128xf32, #tpu.memory_space<vmem>>, vector<1x16xf32>,
    %swap3A_438 = vector.shape_cast %swap3A_437 : vector<1x16xf32> to vector<16xf32>
    %swap3A_439 = vector.shape_cast %scan3A_79#32 : vector<16xf32> to vector<1x16xf32>
    tpu.vector_store %arg5[%swap3A_435, %swap3A_436], %swap3A_439 {strides = array<i32>} : memref<8x128xf32, #tpu.memory_space<vmem>>, vector<1x16xf32>,
    %swap3A_440 = arith.constant 6 : i32
    %swap3A_441 = arith.index_cast %swap3A_440 : i32 to index
    %swap3A_442 = arith.constant 96 : index
    %swap3A_443 = tpu.vector_load %arg5[%swap3A_441, %swap3A_442] {strides = array<i32>} : memref<8x128xf32, #tpu.memory_space<vmem>>, vector<1x16xf32>,
    %swap3A_444 = vector.shape_cast %swap3A_443 : vector<1x16xf32> to vector<16xf32>
    %swap3A_445 = vector.shape_cast %scan3A_79#33 : vector<16xf32> to vector<1x16xf32>
    tpu.vector_store %arg5[%swap3A_441, %swap3A_442], %swap3A_445 {strides = array<i32>} : memref<8x128xf32, #tpu.memory_space<vmem>>, vector<1x16xf32>,
    %swap3A_446 = arith.constant 6 : i32
    %swap3A_447 = arith.index_cast %swap3A_446 : i32 to index
    %swap3A_448 = arith.constant 112 : index
    %swap3A_449 = tpu.vector_load %arg5[%swap3A_447, %swap3A_448] {strides = array<i32>} : memref<8x128xf32, #tpu.memory_space<vmem>>, vector<1x16xf32>,
    %swap3A_450 = vector.shape_cast %swap3A_449 : vector<1x16xf32> to vector<16xf32>
    %swap3A_451 = vector.shape_cast %scan3A_79#34 : vector<16xf32> to vector<1x16xf32>
    tpu.vector_store %arg5[%swap3A_447, %swap3A_448], %swap3A_451 {strides = array<i32>} : memref<8x128xf32, #tpu.memory_space<vmem>>, vector<1x16xf32>,
    %swap3A_452 = arith.constant 7 : i32
    %swap3A_453 = arith.index_cast %swap3A_452 : i32 to index
    %swap3A_454 = arith.constant 96 : index
    %swap3A_455 = tpu.vector_load %arg5[%swap3A_453, %swap3A_454] {strides = array<i32>} : memref<8x128xf32, #tpu.memory_space<vmem>>, vector<1x16xf32>,
    %swap3A_456 = vector.shape_cast %swap3A_455 : vector<1x16xf32> to vector<16xf32>
    %swap3A_457 = vector.shape_cast %scan3A_79#34 : vector<16xf32> to vector<1x16xf32>
    tpu.vector_store %arg5[%swap3A_453, %swap3A_454], %swap3A_457 {strides = array<i32>} : memref<8x128xf32, #tpu.memory_space<vmem>>, vector<1x16xf32>,
    %swap3A_458 = arith.constant 7 : i32
    %swap3A_459 = arith.index_cast %swap3A_458 : i32 to index
    %swap3A_460 = arith.constant 112 : index
    %swap3A_461 = tpu.vector_load %arg5[%swap3A_459, %swap3A_460] {strides = array<i32>} : memref<8x128xf32, #tpu.memory_space<vmem>>, vector<1x16xf32>,
    %swap3A_462 = vector.shape_cast %swap3A_461 : vector<1x16xf32> to vector<16xf32>
    %swap3A_463 = vector.shape_cast %scan3A_79#35 : vector<16xf32> to vector<1x16xf32>
    tpu.vector_store %arg5[%swap3A_459, %swap3A_460], %swap3A_463 {strides = array<i32>} : memref<8x128xf32, #tpu.memory_space<vmem>>, vector<1x16xf32>,
    "tpu.region"() ({
      %run_scoped3A = tpu.sem_alloc : memref<!tpu.dma_semaphore, #tpu.memory_space<semaphore_mem>>
      %dma_start3A = arith.constant 0 : i32
      %dma_start3A_464 = arith.constant 0 : i32
      %dma_start3A_465 = tpu.memref_slice %arg3[%add3A, %dma_start3A, %dma_start3A_464] : memref<32x8x128xf32, #tpu.memory_space<hbm>> -> memref<1x8x128xf32, #tpu.memory_space<hbm>>
      %dma_start3A_466 = tpu.memref_squeeze %dma_start3A_465 : memref<1x8x128xf32, #tpu.memory_space<hbm>> -> memref<8x128xf32, #tpu.memory_space<hbm>>
      %dma_start3A_467 = arith.constant 0 : i32
      %dma_start3A_468 = arith.constant 0 : i32
      %dma_start3A_469 = tpu.memref_slice %arg3[%add3A, %dma_start3A_467, %dma_start3A_468] : memref<32x8x128xf32, #tpu.memory_space<hbm>> -> memref<1x8x128xf32, #tpu.memory_space<hbm>>
      %dma_start3A_470 = tpu.memref_squeeze %dma_start3A_469 : memref<1x8x128xf32, #tpu.memory_space<hbm>> -> memref<8x128xf32, #tpu.memory_space<hbm>>
      tpu.enqueue_dma source(%arg5 : memref<8x128xf32, #tpu.memory_space<vmem>>) target(%dma_start3A_470 : memref<8x128xf32, #tpu.memory_space<hbm>>) target_semaphore(%run_scoped3A : memref<!tpu.dma_semaphore, #tpu.memory_space<semaphore_mem>>)
      %dma_wait3A = arith.constant 0 : i32
      %dma_wait3A_471 = arith.constant 0 : i32
      %dma_wait3A_472 = tpu.memref_slice %arg3[%add3A, %dma_wait3A, %dma_wait3A_471] : memref<32x8x128xf32, #tpu.memory_space<hbm>> -> memref<1x8x128xf32, #tpu.memory_space<hbm>>
      %dma_wait3A_473 = tpu.memref_squeeze %dma_wait3A_472 : memref<1x8x128xf32, #tpu.memory_space<hbm>> -> memref<8x128xf32, #tpu.memory_space<hbm>>
      %dma_wait3A_474 = arith.constant 0 : i32
      %dma_wait3A_475 = arith.constant 0 : i32
      %dma_wait3A_476 = tpu.memref_slice %arg3[%add3A, %dma_wait3A_474, %dma_wait3A_475] : memref<32x8x128xf32, #tpu.memory_space<hbm>> -> memref<1x8x128xf32, #tpu.memory_space<hbm>>
      %dma_wait3A_477 = tpu.memref_squeeze %dma_wait3A_476 : memref<1x8x128xf32, #tpu.memory_space<hbm>> -> memref<8x128xf32, #tpu.memory_space<hbm>>
      tpu.wait_dma2 semaphore(%run_scoped3A : memref<!tpu.dma_semaphore, #tpu.memory_space<semaphore_mem>>) src(%arg5 : memref<8x128xf32, #tpu.memory_space<vmem>>) dst(%dma_wait3A_477 : memref<8x128xf32, #tpu.memory_space<hbm>>)
      tpu.yield
    }) : () -> ()
    return
  }
}

module attributes {stable_mosaic.version = 14 : i64} {
  func.func @_tc_body(%arg0: i32, %arg1: memref<1xf32, #tpu.memory_space<smem>>, %arg2: memref<8x8x512xf32, #tpu.memory_space<vmem>>, %arg3: memref<8x8x512xf32, #tpu.memory_space<vmem>>, %arg4: memref<8x8x512xf32, #tpu.memory_space<vmem>>, %arg5: memref<8x100000xf32, #tpu.memory_space<vmem>>, %arg6: memref<1x8x512xi32, #tpu.memory_space<vmem>>, %arg7: memref<8x1x1xf32, #tpu.memory_space<vmem>>, %arg8: memref<8x1x1xf32, #tpu.memory_space<vmem>>, %arg9: memref<8x1x1xf32, #tpu.memory_space<vmem>>, %arg10: memref<8x108800xf32, #tpu.memory_space<vmem>>, %arg11: memref<2x8x512xf32, #tpu.memory_space<vmem>>, %arg12: memref<1x128xf32, #tpu.memory_space<vmem>>, %arg13: memref<8x8xf32, #tpu.memory_space<vmem>>, %arg14: memref<8x8xf32, #tpu.memory_space<vmem>>, %arg15: memref<8x8x512xf32, #tpu.memory_space<vmem>>, %arg16: memref<4x8x512xf32, #tpu.memory_space<vmem>>, %arg17: memref<2xf32, #tpu.memory_space<smem>>) attributes {dimension_semantics = [#tpu.dimension_semantics<arbitrary>], iteration_bounds = array<i64: 10>, scalar_prefetch = 0 : i64, scratch_operands = 4 : i64, tpu.core_type = #tpu.core_type<tc>, window_params = [{transform_indices = @transform_0, window_bounds = array<i64: 1>}, {pipeline_mode = #tpu.pipeline_mode<synchronous>, transform_indices = @transform_1, window_bounds = array<i64: 8, 8, 512>}, {pipeline_mode = #tpu.pipeline_mode<synchronous>, transform_indices = @transform_2, window_bounds = array<i64: 8, 8, 512>}, {pipeline_mode = #tpu.pipeline_mode<synchronous>, transform_indices = @transform_3, window_bounds = array<i64: 8, 8, 512>}, {pipeline_mode = #tpu.pipeline_mode<synchronous>, transform_indices = @transform_4, window_bounds = array<i64: 8, 100000>}, {pipeline_mode = #tpu.pipeline_mode<synchronous>, transform_indices = @transform_5, window_bounds = array<i64: 1, 8, 512>}, {pipeline_mode = #tpu.pipeline_mode<synchronous>, transform_indices = @transform_6, window_bounds = array<i64: 8, 1, 1>}, {pipeline_mode = #tpu.pipeline_mode<synchronous>, transform_indices = @transform_7, window_bounds = array<i64: 8, 1, 1>}, {pipeline_mode = #tpu.pipeline_mode<synchronous>, transform_indices = @transform_8, window_bounds = array<i64: 8, 1, 1>}, {transform_indices = @transform_9, window_bounds = array<i64: 8, 108800>}, {pipeline_mode = #tpu.pipeline_mode<synchronous>, transform_indices = @transform_10, window_bounds = array<i64: 2, 8, 512>}, {pipeline_mode = #tpu.pipeline_mode<synchronous>, transform_indices = @transform_11, window_bounds = array<i64: 1, 128>}, {pipeline_mode = #tpu.pipeline_mode<synchronous>, transform_indices = @transform_12, window_bounds = array<i64: 8, 8>}]} {
    %eq3A = arith.constant 0 : i32
    %eq3A_0 = arith.cmpi eq, %arg0, %eq3A : i32
    %convert_element_type3A = arith.extui %eq3A_0 : i1 to i32
    %cond3A = arith.constant 0 : i32
    %cond3A_1 = arith.cmpi ne, %convert_element_type3A, %cond3A : i32
    scf.if %cond3A_1 {
      %broadcast_in_dim3A = arith.constant 0.000000e+00 : f32
      %broadcast_in_dim3A_24 = vector.broadcast %broadcast_in_dim3A : f32 to vector<8x8xf32>
      %swap3A_25 = arith.constant 0 : index
      %swap3A_26 = arith.constant 0 : index
      %swap3A_27 = vector.load %arg14[%swap3A_25, %swap3A_26] : memref<8x8xf32, #tpu.memory_space<vmem>>, vector<8x8xf32>
      tpu.vector_store %arg14[%swap3A_25, %swap3A_26], %broadcast_in_dim3A_24 {strides = array<i32>} : memref<8x8xf32, #tpu.memory_space<vmem>>, vector<8x8xf32>,
    } else {
    }
    %get3A = arith.constant 0 : index
    %get3A_2 = arith.constant 0 : index
    %get3A_3 = vector.load %arg10[%get3A, %get3A_2] : memref<8x108800xf32, #tpu.memory_space<vmem>>, vector<8x108800xf32>
    %get3A_4 = arith.constant 0 : index
    %get3A_5 = arith.constant 0 : index
    %get3A_6 = vector.load %arg14[%get3A_4, %get3A_5] : memref<8x8xf32, #tpu.memory_space<vmem>>, vector<8x8xf32>
    %dot_general3A = arith.constant dense<0.000000e+00> : vector<8x8xf32>
    %dot_general3A_7 = tpu.matmul %get3A_3, %get3A_3, %dot_general3A {dimension_numbers = #tpu.dot_dimension_numbers<[1], [1], [0], [0], [0, 0, 1, 0], [], []>, transpose_lhs_hint = false} : vector<8x108800xf32>, vector<8x108800xf32>, vector<8x8xf32> -> vector<8x8xf32>
    %add3A = arith.addf %get3A_6, %dot_general3A_7 : vector<8x8xf32>
    %swap3A = arith.constant 0 : index
    %swap3A_8 = arith.constant 0 : index
    %swap3A_9 = vector.load %arg14[%swap3A, %swap3A_8] : memref<8x8xf32, #tpu.memory_space<vmem>>, vector<8x8xf32>
    tpu.vector_store %arg14[%swap3A, %swap3A_8], %add3A {strides = array<i32>} : memref<8x8xf32, #tpu.memory_space<vmem>>, vector<8x8xf32>,
    %eq3A_10 = arith.constant 0 : i32
    %eq3A_11 = arith.cmpi eq, %arg0, %eq3A_10 : i32
    %convert_element_type3A_12 = arith.extui %eq3A_11 : i1 to i32
    %cond3A_13 = arith.constant 0 : i32
    %cond3A_14 = arith.cmpi ne, %convert_element_type3A_12, %cond3A_13 : i32
    scf.if %cond3A_14 {
      %get3A_24 = arith.constant 0 : index
      %get3A_25 = arith.constant 0 : index
      %get3A_26 = vector.load %arg5[%get3A_24, %get3A_25] : memref<8x100000xf32, #tpu.memory_space<vmem>>, vector<8x100000xf32>
      %dot_general3A_27 = arith.constant dense<0.000000e+00> : vector<8x8xf32>
      %dot_general3A_28 = tpu.matmul %get3A_26, %get3A_26, %dot_general3A_27 {dimension_numbers = #tpu.dot_dimension_numbers<[1], [1], [0], [0], [0, 0, 1, 0], [], []>, transpose_lhs_hint = false} : vector<8x100000xf32>, vector<8x100000xf32>, vector<8x8xf32> -> vector<8x8xf32>
      %iota3A = tpu.iota {dimensions = array<i32: 0>} : vector<8x8xi32>
      %iota3A_29 = tpu.iota {dimensions = array<i32: 1>} : vector<8x8xi32>
      %eq3A_30 = arith.cmpi eq, %iota3A, %iota3A_29 : vector<8x8xi32>
      %convert_element_type3A_31 = arith.extui %eq3A_30 : vector<8x8xi1> to vector<8x8xi32>
      %convert_element_type3A_32 = arith.sitofp %convert_element_type3A_31 : vector<8x8xi32> to vector<8x8xf32>
      %mul3A = arith.mulf %dot_general3A_28, %convert_element_type3A_32 : vector<8x8xf32>
      %reduce_sum3A = arith.constant dense<0.000000e+00> : vector<8xf32>
      %reduce_sum3A_33 = vector.multi_reduction <add>, %mul3A, %reduce_sum3A [0] : vector<8x8xf32> to vector<8xf32>
      %broadcast_in_dim3A = vector.shape_cast %reduce_sum3A_33 : vector<8xf32> to vector<1x8xf32>
      %sqrt3A = math.sqrt %broadcast_in_dim3A : vector<1x8xf32>
      %max3A = arith.constant 9.99999996E-13 : f32
      %max3A_34 = vector.broadcast %max3A : f32 to vector<1x8xf32>
      %max3A_35 = arith.maximumf %sqrt3A, %max3A_34 : vector<1x8xf32>
      %div3A = arith.constant 1.000000e+00 : f32
      %div3A_36 = vector.broadcast %div3A : f32 to vector<1x8xf32>
      %div3A_37 = arith.divf %div3A_36, %max3A_35 : vector<1x8xf32>
      %mul3A_38 = vector.broadcast %div3A_37 : vector<1x8xf32> to vector<8x8xf32>
      %mul3A_39 = arith.mulf %convert_element_type3A_32, %mul3A_38 : vector<8x8xf32>
      %reduce_sum3A_40 = arith.constant dense<0.000000e+00> : vector<8xf32>
      %reduce_sum3A_41 = vector.multi_reduction <add>, %mul3A_39, %reduce_sum3A_40 [1] : vector<8x8xf32> to vector<8xf32>
      %broadcast_in_dim3A_42 = vector.shape_cast %reduce_sum3A_41 : vector<8xf32> to vector<8x1xf32>
      %mul3A_43 = vector.broadcast %broadcast_in_dim3A_42 : vector<8x1xf32> to vector<8x8xf32>
      %mul3A_44 = arith.mulf %dot_general3A_28, %mul3A_43 : vector<8x8xf32>
      %mul3A_45 = vector.broadcast %div3A_37 : vector<1x8xf32> to vector<8x8xf32>
      %mul3A_46 = arith.mulf %mul3A_44, %mul3A_45 : vector<8x8xf32>
      %reduce_sum3A_47 = vector.shape_cast %mul3A_46 : vector<8x8xf32> to vector<1x8x8xf32>
      %reduce_sum3A_48 = arith.constant dense<0.000000e+00> : vector<1xf32>
      %reduce_sum3A_49 = vector.multi_reduction <add>, %reduce_sum3A_47, %reduce_sum3A_48 [1, 2] : vector<1x8x8xf32> to vector<1xf32>
      %reduce_sum3A_50 = vector.shape_cast %reduce_sum3A_49 : vector<1xf32> to vector<1x1x1xf32>
      %reduce_sum3A_51 = vector.extract %reduce_sum3A_50[0, 0, 0] : f32 from vector<1x1x1xf32>
      %mul3A_52 = arith.mulf %mul3A_46, %convert_element_type3A_32 : vector<8x8xf32>
      %reduce_sum3A_53 = vector.shape_cast %mul3A_52 : vector<8x8xf32> to vector<1x8x8xf32>
      %reduce_sum3A_54 = arith.constant dense<0.000000e+00> : vector<1xf32>
      %reduce_sum3A_55 = vector.multi_reduction <add>, %reduce_sum3A_53, %reduce_sum3A_54 [1, 2] : vector<1x8x8xf32> to vector<1xf32>
      %reduce_sum3A_56 = vector.shape_cast %reduce_sum3A_55 : vector<1xf32> to vector<1x1x1xf32>
      %reduce_sum3A_57 = vector.extract %reduce_sum3A_56[0, 0, 0] : f32 from vector<1x1x1xf32>
      %sub3A = arith.subf %reduce_sum3A_51, %reduce_sum3A_57 : f32
      %div3A_58 = arith.constant 5.600000e+01 : f32
      %div3A_59 = arith.divf %sub3A, %div3A_58 : f32
      %swap3A_60 = arith.constant 0 : index
      %swap3A_61 = memref.load %arg17[%swap3A_60] : memref<2xf32, #tpu.memory_space<smem>>
      memref.store %div3A_59, %arg17[%swap3A_60] : memref<2xf32, #tpu.memory_space<smem>>
      %get3A_62 = arith.constant 0 : index
      %get3A_63 = arith.constant 0 : index
      %get3A_64 = arith.constant 0 : index
      %get3A_65 = vector.load %arg2[%get3A_62, %get3A_63, %get3A_64] : memref<8x8x512xf32, #tpu.memory_space<vmem>>, vector<8x8x512xf32>
      %broadcast_in_dim3A_66 = arith.constant 1.250000e-01 : f32
      %broadcast_in_dim3A_67 = vector.broadcast %broadcast_in_dim3A_66 : f32 to vector<8x8x512xf32>
      %get3A_68 = arith.constant 0 : index
      %get3A_69 = memref.load %arg1[%get3A_68] : memref<1xf32, #tpu.memory_space<smem>>
      %gt3A_70 = arith.constant 0.000000e+00 : f32
      %gt3A_71 = arith.cmpf ogt, %get3A_69, %gt3A_70 : f32
      %select_n3A = arith.select %gt3A_71, %broadcast_in_dim3A_67, %get3A_65 : vector<8x8x512xf32>
      %mul3A_72 = arith.constant 5.000000e-01 : f32
      %mul3A_73 = vector.broadcast %mul3A_72 : f32 to vector<8x8x512xf32>
      %mul3A_74 = arith.mulf %select_n3A, %mul3A_73 : vector<8x8x512xf32>
      %swap3A_75 = arith.constant 0 : index
      %swap3A_76 = arith.constant 0 : index
      %swap3A_77 = arith.constant 0 : index
      %swap3A_78 = vector.load %arg15[%swap3A_75, %swap3A_76, %swap3A_77] : memref<8x8x512xf32, #tpu.memory_space<vmem>>, vector<8x8x512xf32>
      tpu.vector_store %arg15[%swap3A_75, %swap3A_76, %swap3A_77], %mul3A_74 {strides = array<i32>} : memref<8x8x512xf32, #tpu.memory_space<vmem>>, vector<8x8x512xf32>,
      %reduce_max3A = arith.constant dense<0xFF800000> : vector<8x512xf32>
      %reduce_max3A_79 = vector.multi_reduction <maximumf>, %mul3A_74, %reduce_max3A [0] : vector<8x8x512xf32> to vector<8x512xf32>
      %broadcast_in_dim3A_80 = vector.shape_cast %reduce_max3A_79 : vector<8x512xf32> to vector<1x8x512xf32>
      %sub3A_81 = arith.constant 1.000000e+00 : f32
      %sub3A_82 = vector.broadcast %sub3A_81 : f32 to vector<1x8x512xf32>
      %sub3A_83 = arith.subf %broadcast_in_dim3A_80, %sub3A_82 : vector<1x8x512xf32>
      %sub3A_84 = arith.constant 0.353553385 : f32
      %sub3A_85 = vector.broadcast %sub3A_84 : f32 to vector<1x8x512xf32>
      %sub3A_86 = arith.subf %broadcast_in_dim3A_80, %sub3A_85 : vector<1x8x512xf32>
      %sub3A_87 = vector.broadcast %sub3A_83 : vector<1x8x512xf32> to vector<8x8x512xf32>
      %sub3A_88 = arith.subf %mul3A_74, %sub3A_87 : vector<8x8x512xf32>
      %max3A_89 = arith.constant 0.000000e+00 : f32
      %max3A_90 = vector.broadcast %max3A_89 : f32 to vector<8x8x512xf32>
      %max3A_91 = arith.maximumf %sub3A_88, %max3A_90 : vector<8x8x512xf32>
      %mul3A_92 = arith.mulf %max3A_91, %max3A_91 : vector<8x8x512xf32>
      %reduce_sum3A_93 = arith.constant dense<0.000000e+00> : vector<8x512xf32>
      %reduce_sum3A_94 = vector.multi_reduction <add>, %mul3A_92, %reduce_sum3A_93 [0] : vector<8x8x512xf32> to vector<8x512xf32>
      %broadcast_in_dim3A_95 = vector.shape_cast %reduce_sum3A_94 : vector<8x512xf32> to vector<1x8x512xf32>
      %sub3A_96 = arith.constant 1.000000e+00 : f32
      %sub3A_97 = vector.broadcast %sub3A_96 : f32 to vector<1x8x512xf32>
      %sub3A_98 = arith.subf %broadcast_in_dim3A_95, %sub3A_97 : vector<1x8x512xf32>
      %swap3A_99 = arith.constant 0 : index
      %swap3A_100 = arith.constant 0 : index
      %swap3A_101 = arith.constant 0 : index
      %swap3A_102 = vector.load %arg16[%swap3A_99, %swap3A_100, %swap3A_101] : memref<4x8x512xf32, #tpu.memory_space<vmem>>, vector<1x8x512xf32>
      tpu.vector_store %arg16[%swap3A_99, %swap3A_100, %swap3A_101], %sub3A_83 {strides = array<i32>} : memref<4x8x512xf32, #tpu.memory_space<vmem>>, vector<1x8x512xf32>,
      %sub3A_103 = arith.subf %sub3A_86, %sub3A_83 : vector<1x8x512xf32>
      %swap3A_104 = arith.constant 1 : index
      %swap3A_105 = arith.constant 0 : index
      %swap3A_106 = arith.constant 0 : index
      %swap3A_107 = vector.load %arg16[%swap3A_104, %swap3A_105, %swap3A_106] : memref<4x8x512xf32, #tpu.memory_space<vmem>>, vector<1x8x512xf32>
      tpu.vector_store %arg16[%swap3A_104, %swap3A_105, %swap3A_106], %sub3A_103 {strides = array<i32>} : memref<4x8x512xf32, #tpu.memory_space<vmem>>, vector<1x8x512xf32>,
      %swap3A_108 = arith.constant 2 : index
      %swap3A_109 = arith.constant 0 : index
      %swap3A_110 = arith.constant 0 : index
      %swap3A_111 = vector.load %arg16[%swap3A_108, %swap3A_109, %swap3A_110] : memref<4x8x512xf32, #tpu.memory_space<vmem>>, vector<1x8x512xf32>
      tpu.vector_store %arg16[%swap3A_108, %swap3A_109, %swap3A_110], %sub3A_83 {strides = array<i32>} : memref<4x8x512xf32, #tpu.memory_space<vmem>>, vector<1x8x512xf32>,
      %swap3A_112 = arith.constant 3 : index
      %swap3A_113 = arith.constant 0 : index
      %swap3A_114 = arith.constant 0 : index
      %swap3A_115 = vector.load %arg16[%swap3A_112, %swap3A_113, %swap3A_114] : memref<4x8x512xf32, #tpu.memory_space<vmem>>, vector<1x8x512xf32>
      tpu.vector_store %arg16[%swap3A_112, %swap3A_113, %swap3A_114], %sub3A_98 {strides = array<i32>} : memref<4x8x512xf32, #tpu.memory_space<vmem>>, vector<1x8x512xf32>,
    } else {
    }
    %gt3A = arith.constant 0 : i32
    %gt3A_15 = arith.cmpi sgt, %arg0, %gt3A : i32
    %convert_element_type3A_16 = arith.extui %gt3A_15 : i1 to i32
    %cond3A_17 = arith.constant 0 : i32
    %cond3A_18 = arith.cmpi ne, %convert_element_type3A_16, %cond3A_17 : i32
    scf.if %cond3A_18 {
      %get3A_24 = arith.constant 0 : index
      %get3A_25 = arith.constant 0 : index
      %get3A_26 = arith.constant 0 : index
      %get3A_27 = vector.load %arg15[%get3A_24, %get3A_25, %get3A_26] : memref<8x8x512xf32, #tpu.memory_space<vmem>>, vector<8x8x512xf32>
      %get3A_28 = arith.constant 0 : index
      %get3A_29 = arith.constant 0 : index
      %get3A_30 = arith.constant 0 : index
      %get3A_31 = vector.load %arg16[%get3A_28, %get3A_29, %get3A_30] : memref<4x8x512xf32, #tpu.memory_space<vmem>>, vector<1x8x512xf32>
      %get3A_32 = arith.constant 1 : index
      %get3A_33 = arith.constant 0 : index
      %get3A_34 = arith.constant 0 : index
      %get3A_35 = vector.load %arg16[%get3A_32, %get3A_33, %get3A_34] : memref<4x8x512xf32, #tpu.memory_space<vmem>>, vector<1x8x512xf32>
      %get3A_36 = arith.constant 3 : index
      %get3A_37 = arith.constant 0 : index
      %get3A_38 = arith.constant 0 : index
      %get3A_39 = vector.load %arg16[%get3A_36, %get3A_37, %get3A_38] : memref<4x8x512xf32, #tpu.memory_space<vmem>>, vector<1x8x512xf32>
      %div3A = arith.constant 2.000000e+00 : f32
      %div3A_40 = vector.broadcast %div3A : f32 to vector<1x8x512xf32>
      %div3A_41 = arith.divf %get3A_35, %div3A_40 : vector<1x8x512xf32>
      %add3A_42 = arith.addf %get3A_31, %div3A_41 : vector<1x8x512xf32>
      %sub3A = vector.broadcast %add3A_42 : vector<1x8x512xf32> to vector<8x8x512xf32>
      %sub3A_43 = arith.subf %get3A_27, %sub3A : vector<8x8x512xf32>
      %max3A = arith.constant 0.000000e+00 : f32
      %max3A_44 = vector.broadcast %max3A : f32 to vector<8x8x512xf32>
      %max3A_45 = arith.maximumf %sub3A_43, %max3A_44 : vector<8x8x512xf32>
      %mul3A = arith.mulf %max3A_45, %max3A_45 : vector<8x8x512xf32>
      %reduce_sum3A = arith.constant dense<0.000000e+00> : vector<8x512xf32>
      %reduce_sum3A_46 = vector.multi_reduction <add>, %mul3A, %reduce_sum3A [0] : vector<8x8x512xf32> to vector<8x512xf32>
      %broadcast_in_dim3A = vector.shape_cast %reduce_sum3A_46 : vector<8x512xf32> to vector<1x8x512xf32>
      %sub3A_47 = arith.constant 1.000000e+00 : f32
      %sub3A_48 = vector.broadcast %sub3A_47 : f32 to vector<1x8x512xf32>
      %sub3A_49 = arith.subf %broadcast_in_dim3A, %sub3A_48 : vector<1x8x512xf32>
      %mul3A_50 = arith.mulf %sub3A_49, %get3A_39 : vector<1x8x512xf32>
      %ge3A = arith.constant 0.000000e+00 : f32
      %ge3A_51 = vector.broadcast %ge3A : f32 to vector<1x8x512xf32>
      %ge3A_52 = arith.cmpf oge, %mul3A_50, %ge3A_51 : vector<1x8x512xf32>
      %select_n3A = arith.select %ge3A_52, %add3A_42, %get3A_31 : vector<1x8x512xi1>, vector<1x8x512xf32>
      %div3A_53 = arith.constant 2.000000e+00 : f32
      %div3A_54 = vector.broadcast %div3A_53 : f32 to vector<1x8x512xf32>
      %div3A_55 = arith.divf %div3A_41, %div3A_54 : vector<1x8x512xf32>
      %add3A_56 = arith.addf %select_n3A, %div3A_55 : vector<1x8x512xf32>
      %sub3A_57 = vector.broadcast %add3A_56 : vector<1x8x512xf32> to vector<8x8x512xf32>
      %sub3A_58 = arith.subf %get3A_27, %sub3A_57 : vector<8x8x512xf32>
      %max3A_59 = arith.constant 0.000000e+00 : f32
      %max3A_60 = vector.broadcast %max3A_59 : f32 to vector<8x8x512xf32>
      %max3A_61 = arith.maximumf %sub3A_58, %max3A_60 : vector<8x8x512xf32>
      %mul3A_62 = arith.mulf %max3A_61, %max3A_61 : vector<8x8x512xf32>
      %reduce_sum3A_63 = arith.constant dense<0.000000e+00> : vector<8x512xf32>
      %reduce_sum3A_64 = vector.multi_reduction <add>, %mul3A_62, %reduce_sum3A_63 [0] : vector<8x8x512xf32> to vector<8x512xf32>
      %broadcast_in_dim3A_65 = vector.shape_cast %reduce_sum3A_64 : vector<8x512xf32> to vector<1x8x512xf32>
      %sub3A_66 = arith.constant 1.000000e+00 : f32
      %sub3A_67 = vector.broadcast %sub3A_66 : f32 to vector<1x8x512xf32>
      %sub3A_68 = arith.subf %broadcast_in_dim3A_65, %sub3A_67 : vector<1x8x512xf32>
      %mul3A_69 = arith.mulf %sub3A_68, %get3A_39 : vector<1x8x512xf32>
      %ge3A_70 = arith.constant 0.000000e+00 : f32
      %ge3A_71 = vector.broadcast %ge3A_70 : f32 to vector<1x8x512xf32>
      %ge3A_72 = arith.cmpf oge, %mul3A_69, %ge3A_71 : vector<1x8x512xf32>
      %select_n3A_73 = arith.select %ge3A_72, %add3A_56, %select_n3A : vector<1x8x512xi1>, vector<1x8x512xf32>
      %div3A_74 = arith.constant 2.000000e+00 : f32
      %div3A_75 = vector.broadcast %div3A_74 : f32 to vector<1x8x512xf32>
      %div3A_76 = arith.divf %div3A_55, %div3A_75 : vector<1x8x512xf32>
      %add3A_77 = arith.addf %select_n3A_73, %div3A_76 : vector<1x8x512xf32>
      %sub3A_78 = vector.broadcast %add3A_77 : vector<1x8x512xf32> to vector<8x8x512xf32>
      %sub3A_79 = arith.subf %get3A_27, %sub3A_78 : vector<8x8x512xf32>
      %max3A_80 = arith.constant 0.000000e+00 : f32
      %max3A_81 = vector.broadcast %max3A_80 : f32 to vector<8x8x512xf32>
      %max3A_82 = arith.maximumf %sub3A_79, %max3A_81 : vector<8x8x512xf32>
      %mul3A_83 = arith.mulf %max3A_82, %max3A_82 : vector<8x8x512xf32>
      %reduce_sum3A_84 = arith.constant dense<0.000000e+00> : vector<8x512xf32>
      %reduce_sum3A_85 = vector.multi_reduction <add>, %mul3A_83, %reduce_sum3A_84 [0] : vector<8x8x512xf32> to vector<8x512xf32>
      %broadcast_in_dim3A_86 = vector.shape_cast %reduce_sum3A_85 : vector<8x512xf32> to vector<1x8x512xf32>
      %sub3A_87 = arith.constant 1.000000e+00 : f32
      %sub3A_88 = vector.broadcast %sub3A_87 : f32 to vector<1x8x512xf32>
      %sub3A_89 = arith.subf %broadcast_in_dim3A_86, %sub3A_88 : vector<1x8x512xf32>
      %mul3A_90 = arith.mulf %sub3A_89, %get3A_39 : vector<1x8x512xf32>
      %ge3A_91 = arith.constant 0.000000e+00 : f32
      %ge3A_92 = vector.broadcast %ge3A_91 : f32 to vector<1x8x512xf32>
      %ge3A_93 = arith.cmpf oge, %mul3A_90, %ge3A_92 : vector<1x8x512xf32>
      %select_n3A_94 = arith.select %ge3A_93, %add3A_77, %select_n3A_73 : vector<1x8x512xi1>, vector<1x8x512xf32>
      %div3A_95 = arith.constant 2.000000e+00 : f32
      %div3A_96 = vector.broadcast %div3A_95 : f32 to vector<1x8x512xf32>
      %div3A_97 = arith.divf %div3A_76, %div3A_96 : vector<1x8x512xf32>
      %add3A_98 = arith.addf %select_n3A_94, %div3A_97 : vector<1x8x512xf32>
      %sub3A_99 = vector.broadcast %add3A_98 : vector<1x8x512xf32> to vector<8x8x512xf32>
      %sub3A_100 = arith.subf %get3A_27, %sub3A_99 : vector<8x8x512xf32>
      %max3A_101 = arith.constant 0.000000e+00 : f32
      %max3A_102 = vector.broadcast %max3A_101 : f32 to vector<8x8x512xf32>
      %max3A_103 = arith.maximumf %sub3A_100, %max3A_102 : vector<8x8x512xf32>
      %mul3A_104 = arith.mulf %max3A_103, %max3A_103 : vector<8x8x512xf32>
      %reduce_sum3A_105 = arith.constant dense<0.000000e+00> : vector<8x512xf32>
      %reduce_sum3A_106 = vector.multi_reduction <add>, %mul3A_104, %reduce_sum3A_105 [0] : vector<8x8x512xf32> to vector<8x512xf32>
      %broadcast_in_dim3A_107 = vector.shape_cast %reduce_sum3A_106 : vector<8x512xf32> to vector<1x8x512xf32>
      %sub3A_108 = arith.constant 1.000000e+00 : f32
      %sub3A_109 = vector.broadcast %sub3A_108 : f32 to vector<1x8x512xf32>
      %sub3A_110 = arith.subf %broadcast_in_dim3A_107, %sub3A_109 : vector<1x8x512xf32>
      %mul3A_111 = arith.mulf %sub3A_110, %get3A_39 : vector<1x8x512xf32>
      %ge3A_112 = arith.constant 0.000000e+00 : f32
      %ge3A_113 = vector.broadcast %ge3A_112 : f32 to vector<1x8x512xf32>
      %ge3A_114 = arith.cmpf oge, %mul3A_111, %ge3A_113 : vector<1x8x512xf32>
      %select_n3A_115 = arith.select %ge3A_114, %add3A_98, %select_n3A_94 : vector<1x8x512xi1>, vector<1x8x512xf32>
      %swap3A_116 = arith.constant 0 : index
      %swap3A_117 = arith.constant 0 : index
      %swap3A_118 = arith.constant 0 : index
      %swap3A_119 = vector.load %arg16[%swap3A_116, %swap3A_117, %swap3A_118] : memref<4x8x512xf32, #tpu.memory_space<vmem>>, vector<1x8x512xf32>
      tpu.vector_store %arg16[%swap3A_116, %swap3A_117, %swap3A_118], %select_n3A_115 {strides = array<i32>} : memref<4x8x512xf32, #tpu.memory_space<vmem>>, vector<1x8x512xf32>,
      %swap3A_120 = arith.constant 1 : index
      %swap3A_121 = arith.constant 0 : index
      %swap3A_122 = arith.constant 0 : index
      %swap3A_123 = vector.load %arg16[%swap3A_120, %swap3A_121, %swap3A_122] : memref<4x8x512xf32, #tpu.memory_space<vmem>>, vector<1x8x512xf32>
      tpu.vector_store %arg16[%swap3A_120, %swap3A_121, %swap3A_122], %div3A_97 {strides = array<i32>} : memref<4x8x512xf32, #tpu.memory_space<vmem>>, vector<1x8x512xf32>,
      %swap3A_124 = arith.constant 2 : index
      %swap3A_125 = arith.constant 0 : index
      %swap3A_126 = arith.constant 0 : index
      %swap3A_127 = vector.load %arg16[%swap3A_124, %swap3A_125, %swap3A_126] : memref<4x8x512xf32, #tpu.memory_space<vmem>>, vector<1x8x512xf32>
      tpu.vector_store %arg16[%swap3A_124, %swap3A_125, %swap3A_126], %add3A_98 {strides = array<i32>} : memref<4x8x512xf32, #tpu.memory_space<vmem>>, vector<1x8x512xf32>,
    } else {
    }
    %eq3A_19 = arith.constant 9 : i32
    %eq3A_20 = arith.cmpi eq, %arg0, %eq3A_19 : i32
    %convert_element_type3A_21 = arith.extui %eq3A_20 : i1 to i32
    %cond3A_22 = arith.constant 0 : i32
    %cond3A_23 = arith.cmpi ne, %convert_element_type3A_21, %cond3A_22 : i32
    scf.if %cond3A_23 {
      %get3A_24 = arith.constant 0 : index
      %get3A_25 = arith.constant 0 : index
      %get3A_26 = arith.constant 0 : index
      %get3A_27 = vector.load %arg15[%get3A_24, %get3A_25, %get3A_26] : memref<8x8x512xf32, #tpu.memory_space<vmem>>, vector<8x8x512xf32>
      %get3A_28 = arith.constant 2 : index
      %get3A_29 = arith.constant 0 : index
      %get3A_30 = arith.constant 0 : index
      %get3A_31 = vector.load %arg16[%get3A_28, %get3A_29, %get3A_30] : memref<4x8x512xf32, #tpu.memory_space<vmem>>, vector<1x8x512xf32>
      %sub3A = vector.broadcast %get3A_31 : vector<1x8x512xf32> to vector<8x8x512xf32>
      %sub3A_32 = arith.subf %get3A_27, %sub3A : vector<8x8x512xf32>
      %max3A = arith.constant 0.000000e+00 : f32
      %max3A_33 = vector.broadcast %max3A : f32 to vector<8x8x512xf32>
      %max3A_34 = arith.maximumf %sub3A_32, %max3A_33 : vector<8x8x512xf32>
      %mul3A = arith.mulf %max3A_34, %max3A_34 : vector<8x8x512xf32>
      %reduce_sum3A = arith.constant dense<0.000000e+00> : vector<8x512xf32>
      %reduce_sum3A_35 = vector.multi_reduction <add>, %mul3A, %reduce_sum3A [0] : vector<8x8x512xf32> to vector<8x512xf32>
      %broadcast_in_dim3A = vector.shape_cast %reduce_sum3A_35 : vector<8x512xf32> to vector<1x8x512xf32>
      %div3A = vector.broadcast %broadcast_in_dim3A : vector<1x8x512xf32> to vector<8x8x512xf32>
      %div3A_36 = arith.divf %mul3A, %div3A : vector<8x8x512xf32>
      %get3A_37 = arith.constant 0 : index
      %get3A_38 = arith.constant 0 : index
      %get3A_39 = arith.constant 0 : index
      %get3A_40 = vector.load %arg3[%get3A_37, %get3A_38, %get3A_39] : memref<8x8x512xf32, #tpu.memory_space<vmem>>, vector<8x8x512xf32>
      %mul3A_41 = arith.mulf %get3A_40, %div3A_36 : vector<8x8x512xf32>
      %reduce_sum3A_42 = arith.constant dense<0.000000e+00> : vector<8x512xf32>
      %reduce_sum3A_43 = vector.multi_reduction <add>, %mul3A_41, %reduce_sum3A_42 [0] : vector<8x8x512xf32> to vector<8x512xf32>
      %broadcast_in_dim3A_44 = vector.shape_cast %reduce_sum3A_43 : vector<8x512xf32> to vector<1x8x512xf32>
      %get3A_45 = arith.constant 0 : index
      %get3A_46 = arith.constant 0 : index
      %get3A_47 = arith.constant 0 : index
      %get3A_48 = vector.load %arg4[%get3A_45, %get3A_46, %get3A_47] : memref<8x8x512xf32, #tpu.memory_space<vmem>>, vector<8x8x512xf32>
      %mul3A_49 = arith.mulf %get3A_48, %div3A_36 : vector<8x8x512xf32>
      %reduce_sum3A_50 = arith.constant dense<0.000000e+00> : vector<8x512xf32>
      %reduce_sum3A_51 = vector.multi_reduction <add>, %mul3A_49, %reduce_sum3A_50 [0] : vector<8x8x512xf32> to vector<8x512xf32>
      %broadcast_in_dim3A_52 = vector.shape_cast %reduce_sum3A_51 : vector<8x512xf32> to vector<1x8x512xf32>
      %swap3A_53 = arith.constant 0 : index
      %swap3A_54 = arith.constant 0 : index
      %swap3A_55 = arith.constant 0 : index
      %swap3A_56 = vector.load %arg11[%swap3A_53, %swap3A_54, %swap3A_55] : memref<2x8x512xf32, #tpu.memory_space<vmem>>, vector<1x8x512xf32>
      tpu.vector_store %arg11[%swap3A_53, %swap3A_54, %swap3A_55], %broadcast_in_dim3A_44 {strides = array<i32>} : memref<2x8x512xf32, #tpu.memory_space<vmem>>, vector<1x8x512xf32>,
      %swap3A_57 = arith.constant 1 : index
      %swap3A_58 = arith.constant 0 : index
      %swap3A_59 = arith.constant 0 : index
      %swap3A_60 = vector.load %arg11[%swap3A_57, %swap3A_58, %swap3A_59] : memref<2x8x512xf32, #tpu.memory_space<vmem>>, vector<1x8x512xf32>
      tpu.vector_store %arg11[%swap3A_57, %swap3A_58, %swap3A_59], %broadcast_in_dim3A_52 {strides = array<i32>} : memref<2x8x512xf32, #tpu.memory_space<vmem>>, vector<1x8x512xf32>,
      %get3A_61 = arith.constant 0 : index
      %get3A_62 = arith.constant 0 : index
      %get3A_63 = arith.constant 0 : index
      %get3A_64 = vector.load %arg6[%get3A_61, %get3A_62, %get3A_63] : memref<1x8x512xi32, #tpu.memory_space<vmem>>, vector<1x8x512xi32>
      %convert_element_type3A_65 = arith.sitofp %get3A_64 : vector<1x8x512xi32> to vector<1x8x512xf32>
      %reduce_sum3A_66 = vector.shape_cast %convert_element_type3A_65 : vector<1x8x512xf32> to vector<1x1x8x512xf32>
      %reduce_sum3A_67 = arith.constant dense<0.000000e+00> : vector<1xf32>
      %reduce_sum3A_68 = vector.multi_reduction <add>, %reduce_sum3A_66, %reduce_sum3A_67 [1, 2, 3] : vector<1x1x8x512xf32> to vector<1xf32>
      %reduce_sum3A_69 = vector.shape_cast %reduce_sum3A_68 : vector<1xf32> to vector<1x1x1x1xf32>
      %reduce_sum3A_70 = vector.extract %reduce_sum3A_69[0, 0, 0, 0] : f32 from vector<1x1x1x1xf32>
      %sub3A_71 = arith.constant 4.096000e+03 : f32
      %sub3A_72 = arith.subf %sub3A_71, %reduce_sum3A_70 : f32
      %eq3A_73 = arith.constant 0.000000e+00 : f32
      %eq3A_74 = arith.cmpf oeq, %sub3A_72, %eq3A_73 : f32
      %jit3A = arith.constant 1.000000e+00 : f32
      %select_n3A = arith.select %eq3A_74, %jit3A, %sub3A_72 : f32
      %eq3A_75 = arith.constant 0.000000e+00 : f32
      %eq3A_76 = arith.cmpf oeq, %reduce_sum3A_70, %eq3A_75 : f32
      %jit3A_77 = arith.constant 1.000000e+00 : f32
      %select_n3A_78 = arith.select %eq3A_76, %jit3A_77, %reduce_sum3A_70 : f32
      %div3A_79 = arith.constant 1.000000e+00 : f32
      %div3A_80 = arith.divf %div3A_79, %select_n3A : f32
      %div3A_81 = arith.constant 1.000000e+00 : f32
      %div3A_82 = arith.divf %div3A_81, %select_n3A_78 : f32
      %add3A_83 = arith.addf %div3A_80, %div3A_82 : f32
      %div3A_84 = arith.divf %div3A_80, %add3A_83 : f32
      %div3A_85 = arith.divf %div3A_82, %add3A_83 : f32
      %max3A_86 = arith.maximumf %broadcast_in_dim3A_44, %broadcast_in_dim3A_52 : vector<1x8x512xf32>
      %sub3A_87 = arith.subf %broadcast_in_dim3A_44, %max3A_86 : vector<1x8x512xf32>
      %exp3A = math.exp %sub3A_87 : vector<1x8x512xf32>
      %sub3A_88 = arith.subf %broadcast_in_dim3A_52, %max3A_86 : vector<1x8x512xf32>
      %exp3A_89 = math.exp %sub3A_88 : vector<1x8x512xf32>
      %add3A_90 = arith.addf %exp3A, %exp3A_89 : vector<1x8x512xf32>
      %log3A = math.log %add3A_90 : vector<1x8x512xf32>
      %add3A_91 = arith.addf %max3A_86, %log3A : vector<1x8x512xf32>
      %sub3A_92 = arith.subf %broadcast_in_dim3A_44, %add3A_91 : vector<1x8x512xf32>
      %sub3A_93 = arith.subf %broadcast_in_dim3A_52, %add3A_91 : vector<1x8x512xf32>
      %get3A_94 = arith.constant 0 : index
      %get3A_95 = arith.constant 0 : index
      %get3A_96 = arith.constant 0 : index
      %get3A_97 = vector.load %arg6[%get3A_94, %get3A_95, %get3A_96] : memref<1x8x512xi32, #tpu.memory_space<vmem>>, vector<1x8x512xi32>
      %eq3A_98 = arith.constant 0 : i32
      %eq3A_99 = vector.broadcast %eq3A_98 : i32 to vector<1x8x512xi32>
      %eq3A_100 = arith.cmpi eq, %get3A_97, %eq3A_99 : vector<1x8x512xi32>
      %select_n3A_101 = arith.select %eq3A_100, %sub3A_92, %sub3A_93 : vector<1x8x512xi1>, vector<1x8x512xf32>
      %neg3A = arith.constant 0.000000e+00 : f32
      %neg3A_102 = vector.broadcast %neg3A : f32 to vector<1x8x512xf32>
      %neg3A_103 = arith.subf %neg3A_102, %select_n3A_101 : vector<1x8x512xf32>
      %broadcast_in_dim3A_104 = vector.broadcast %div3A_84 : f32 to vector<1x8x512xf32>
      %broadcast_in_dim3A_105 = vector.broadcast %div3A_85 : f32 to vector<1x8x512xf32>
      %select_n3A_106 = arith.select %eq3A_100, %broadcast_in_dim3A_104, %broadcast_in_dim3A_105 : vector<1x8x512xi1>, vector<1x8x512xf32>
      %mul3A_107 = arith.mulf %select_n3A_106, %neg3A_103 : vector<1x8x512xf32>
      %reduce_sum3A_108 = vector.shape_cast %mul3A_107 : vector<1x8x512xf32> to vector<1x1x8x512xf32>
      %reduce_sum3A_109 = arith.constant dense<0.000000e+00> : vector<1xf32>
      %reduce_sum3A_110 = vector.multi_reduction <add>, %reduce_sum3A_108, %reduce_sum3A_109 [1, 2, 3] : vector<1x1x8x512xf32> to vector<1xf32>
      %reduce_sum3A_111 = vector.shape_cast %reduce_sum3A_110 : vector<1xf32> to vector<1x1x1x1xf32>
      %reduce_sum3A_112 = vector.extract %reduce_sum3A_111[0, 0, 0, 0] : f32 from vector<1x1x1x1xf32>
      %reduce_sum3A_113 = vector.shape_cast %select_n3A_106 : vector<1x8x512xf32> to vector<1x1x8x512xf32>
      %reduce_sum3A_114 = arith.constant dense<0.000000e+00> : vector<1xf32>
      %reduce_sum3A_115 = vector.multi_reduction <add>, %reduce_sum3A_113, %reduce_sum3A_114 [1, 2, 3] : vector<1x1x8x512xf32> to vector<1xf32>
      %reduce_sum3A_116 = vector.shape_cast %reduce_sum3A_115 : vector<1xf32> to vector<1x1x1x1xf32>
      %reduce_sum3A_117 = vector.extract %reduce_sum3A_116[0, 0, 0, 0] : f32 from vector<1x1x1x1xf32>
      %div3A_118 = arith.divf %reduce_sum3A_112, %reduce_sum3A_117 : f32
      %slice3A = vector.extract_strided_slice %div3A_36 {offsets = [0, 0, 0], sizes = [8, 1, 1], strides = [1, 1, 1]} : vector<8x8x512xf32> to vector<8x1x1xf32>
      %get3A_119 = arith.constant 0 : index
      %get3A_120 = arith.constant 0 : index
      %get3A_121 = arith.constant 0 : index
      %get3A_122 = vector.load %arg7[%get3A_119, %get3A_120, %get3A_121] : memref<8x1x1xf32, #tpu.memory_space<vmem>>, vector<8x1x1xf32>
      %mul3A_123 = arith.mulf %slice3A, %get3A_122 : vector<8x1x1xf32>
      %reduce_sum3A_124 = vector.shape_cast %mul3A_123 : vector<8x1x1xf32> to vector<1x8x1x1xf32>
      %reduce_sum3A_125 = arith.constant dense<0.000000e+00> : vector<1xf32>
      %reduce_sum3A_126 = vector.multi_reduction <add>, %reduce_sum3A_124, %reduce_sum3A_125 [1, 2, 3] : vector<1x8x1x1xf32> to vector<1xf32>
      %reduce_sum3A_127 = vector.shape_cast %reduce_sum3A_126 : vector<1xf32> to vector<1x1x1x1xf32>
      %reduce_sum3A_128 = vector.extract %reduce_sum3A_127[0, 0, 0, 0] : f32 from vector<1x1x1x1xf32>
      %get3A_129 = arith.constant 0 : index
      %get3A_130 = arith.constant 0 : index
      %get3A_131 = arith.constant 0 : index
      %get3A_132 = vector.load %arg8[%get3A_129, %get3A_130, %get3A_131] : memref<8x1x1xf32, #tpu.memory_space<vmem>>, vector<8x1x1xf32>
      %mul3A_133 = arith.mulf %slice3A, %get3A_132 : vector<8x1x1xf32>
      %reduce_sum3A_134 = vector.shape_cast %mul3A_133 : vector<8x1x1xf32> to vector<1x8x1x1xf32>
      %reduce_sum3A_135 = arith.constant dense<0.000000e+00> : vector<1xf32>
      %reduce_sum3A_136 = vector.multi_reduction <add>, %reduce_sum3A_134, %reduce_sum3A_135 [1, 2, 3] : vector<1x8x1x1xf32> to vector<1xf32>
      %reduce_sum3A_137 = vector.shape_cast %reduce_sum3A_136 : vector<1xf32> to vector<1x1x1x1xf32>
      %reduce_sum3A_138 = vector.extract %reduce_sum3A_137[0, 0, 0, 0] : f32 from vector<1x1x1x1xf32>
      %get3A_139 = arith.constant 0 : index
      %get3A_140 = arith.constant 0 : index
      %get3A_141 = arith.constant 0 : index
      %get3A_142 = vector.load %arg9[%get3A_139, %get3A_140, %get3A_141] : memref<8x1x1xf32, #tpu.memory_space<vmem>>, vector<8x1x1xf32>
      %mul3A_143 = arith.mulf %slice3A, %get3A_142 : vector<8x1x1xf32>
      %reduce_sum3A_144 = vector.shape_cast %mul3A_143 : vector<8x1x1xf32> to vector<1x8x1x1xf32>
      %reduce_sum3A_145 = arith.constant dense<0.000000e+00> : vector<1xf32>
      %reduce_sum3A_146 = vector.multi_reduction <add>, %reduce_sum3A_144, %reduce_sum3A_145 [1, 2, 3] : vector<1x8x1x1xf32> to vector<1xf32>
      %reduce_sum3A_147 = vector.shape_cast %reduce_sum3A_146 : vector<1xf32> to vector<1x1x1x1xf32>
      %reduce_sum3A_148 = vector.extract %reduce_sum3A_147[0, 0, 0, 0] : f32 from vector<1x1x1x1xf32>
      %reduce_sum3A_149 = arith.constant dense<0.000000e+00> : vector<8x8xf32>
      %reduce_sum3A_150 = vector.multi_reduction <add>, %div3A_36, %reduce_sum3A_149 [2] : vector<8x8x512xf32> to vector<8x8xf32>
      %broadcast_in_dim3A_151 = vector.shape_cast %reduce_sum3A_150 : vector<8x8xf32> to vector<8x8x1xf32>
      %reduce_sum3A_152 = arith.constant dense<0.000000e+00> : vector<8x1xf32>
      %reduce_sum3A_153 = vector.multi_reduction <add>, %broadcast_in_dim3A_151, %reduce_sum3A_152 [1] : vector<8x8x1xf32> to vector<8x1xf32>
      %broadcast_in_dim3A_154 = vector.shape_cast %reduce_sum3A_153 : vector<8x1xf32> to vector<8x1x1xf32>
      %div3A_155 = arith.constant 4.096000e+03 : f32
      %div3A_156 = vector.broadcast %div3A_155 : f32 to vector<8x1x1xf32>
      %div3A_157 = arith.divf %broadcast_in_dim3A_154, %div3A_156 : vector<8x1x1xf32>
      %broadcast_in_dim3A_158 = arith.constant 1.250000e-01 : f32
      %broadcast_in_dim3A_159 = vector.broadcast %broadcast_in_dim3A_158 : f32 to vector<8x1x1xf32>
      %log3A_160 = math.log %broadcast_in_dim3A_159 : vector<8x1x1xf32>
      %add3A_161 = arith.constant 9.99999993E-9 : f32
      %add3A_162 = vector.broadcast %add3A_161 : f32 to vector<8x1x1xf32>
      %add3A_163 = arith.addf %div3A_157, %add3A_162 : vector<8x1x1xf32>
      %log3A_164 = math.log %add3A_163 : vector<8x1x1xf32>
      %sub3A_165 = arith.subf %log3A_160, %log3A_164 : vector<8x1x1xf32>
      %mul3A_166 = arith.constant 1.250000e-01 : f32
      %mul3A_167 = vector.broadcast %mul3A_166 : f32 to vector<8x1x1xf32>
      %mul3A_168 = arith.mulf %mul3A_167, %sub3A_165 : vector<8x1x1xf32>
      %reduce_sum3A_169 = vector.shape_cast %mul3A_168 : vector<8x1x1xf32> to vector<1x8x1x1xf32>
      %reduce_sum3A_170 = arith.constant dense<0.000000e+00> : vector<1xf32>
      %reduce_sum3A_171 = vector.multi_reduction <add>, %reduce_sum3A_169, %reduce_sum3A_170 [1, 2, 3] : vector<1x8x1x1xf32> to vector<1xf32>
      %reduce_sum3A_172 = vector.shape_cast %reduce_sum3A_171 : vector<1xf32> to vector<1x1x1x1xf32>
      %reduce_sum3A_173 = vector.extract %reduce_sum3A_172[0, 0, 0, 0] : f32 from vector<1x1x1x1xf32>
      %div3A_174 = arith.constant 8.000000e+00 : f32
      %div3A_175 = arith.divf %reduce_sum3A_173, %div3A_174 : f32
      %mul3A_176 = arith.constant 1.000000e+00 : f32
      %mul3A_177 = arith.mulf %mul3A_176, %div3A_118 : f32
      %mul3A_178 = arith.constant 5.000000e-01 : f32
      %mul3A_179 = arith.mulf %mul3A_178, %reduce_sum3A_128 : f32
      %add3A_180 = arith.addf %mul3A_177, %mul3A_179 : f32
      %mul3A_181 = arith.constant 5.000000e-01 : f32
      %mul3A_182 = arith.mulf %mul3A_181, %reduce_sum3A_138 : f32
      %add3A_183 = arith.addf %add3A_180, %mul3A_182 : f32
      %mul3A_184 = arith.constant 5.000000e-01 : f32
      %mul3A_185 = arith.mulf %mul3A_184, %reduce_sum3A_148 : f32
      %add3A_186 = arith.addf %add3A_183, %mul3A_185 : f32
      %mul3A_187 = arith.constant 0.00999999977 : f32
      %mul3A_188 = arith.mulf %mul3A_187, %div3A_175 : f32
      %add3A_189 = arith.addf %add3A_186, %mul3A_188 : f32
      %reshape3A = vector.broadcast %add3A_189 : f32 to vector<1x1xf32>
      %swap3A_190 = arith.constant 0 : index
      %swap3A_191 = arith.constant 0 : index
      %swap3A_192 = vector.load %arg12[%swap3A_190, %swap3A_191] : memref<1x128xf32, #tpu.memory_space<vmem>>, vector<1x1xf32>
      tpu.vector_store %arg12[%swap3A_190, %swap3A_191], %reshape3A {strides = array<i32>} : memref<1x128xf32, #tpu.memory_space<vmem>>, vector<1x1xf32>,
      %get3A_193 = arith.constant 0 : index
      %get3A_194 = memref.load %arg17[%get3A_193] : memref<2xf32, #tpu.memory_space<smem>>
      %reshape3A_195 = vector.broadcast %get3A_194 : f32 to vector<1x1xf32>
      %swap3A_196 = arith.constant 0 : index
      %swap3A_197 = arith.constant 1 : index
      %swap3A_198 = vector.load %arg12[%swap3A_196, %swap3A_197] : memref<1x128xf32, #tpu.memory_space<vmem>>, vector<1x1xf32>
      tpu.vector_store %arg12[%swap3A_196, %swap3A_197], %reshape3A_195 {strides = array<i32>} : memref<1x128xf32, #tpu.memory_space<vmem>>, vector<1x1xf32>,
      %get3A_199 = arith.constant 0 : index
      %get3A_200 = arith.constant 0 : index
      %get3A_201 = vector.load %arg14[%get3A_199, %get3A_200] : memref<8x8xf32, #tpu.memory_space<vmem>>, vector<8x8xf32>
      %swap3A_202 = arith.constant 0 : index
      %swap3A_203 = arith.constant 0 : index
      %swap3A_204 = vector.load %arg13[%swap3A_202, %swap3A_203] : memref<8x8xf32, #tpu.memory_space<vmem>>, vector<8x8xf32>
      tpu.vector_store %arg13[%swap3A_202, %swap3A_203], %get3A_201 {strides = array<i32>} : memref<8x8xf32, #tpu.memory_space<vmem>>, vector<8x8xf32>,
    } else {
    }
    return
  }
  func.func @transform_0(%arg0: i32) -> i32 {
    %c0_i32 = arith.constant 0 : i32
    %c0_i32_0 = arith.constant 0 : i32
    return %c0_i32 : i32
  }
  func.func @transform_1(%arg0: i32) -> (i32, i32, i32) {
    %c0_i32 = arith.constant 0 : i32
    %c0_i32_0 = arith.constant 0 : i32
    %c0_i32_1 = arith.constant 0 : i32
    %c0_i32_2 = arith.constant 0 : i32
    return %c0_i32, %c0_i32_0, %c0_i32_1 : i32, i32, i32
  }
  func.func @transform_2(%arg0: i32) -> (i32, i32, i32) {
    %c0_i32 = arith.constant 0 : i32
    %c0_i32_0 = arith.constant 0 : i32
    %c0_i32_1 = arith.constant 0 : i32
    %c0_i32_2 = arith.constant 0 : i32
    return %c0_i32, %c0_i32_0, %c0_i32_1 : i32, i32, i32
  }
  func.func @transform_3(%arg0: i32) -> (i32, i32, i32) {
    %c0_i32 = arith.constant 0 : i32
    %c0_i32_0 = arith.constant 0 : i32
    %c0_i32_1 = arith.constant 0 : i32
    %c0_i32_2 = arith.constant 0 : i32
    return %c0_i32, %c0_i32_0, %c0_i32_1 : i32, i32, i32
  }
  func.func @transform_4(%arg0: i32) -> (i32, i32) {
    %c0_i32 = arith.constant 0 : i32
    %c0_i32_0 = arith.constant 0 : i32
    %c0_i32_1 = arith.constant 0 : i32
    return %c0_i32, %c0_i32_0 : i32, i32
  }
  func.func @transform_5(%arg0: i32) -> (i32, i32, i32) {
    %c0_i32 = arith.constant 0 : i32
    %c0_i32_0 = arith.constant 0 : i32
    %c0_i32_1 = arith.constant 0 : i32
    %c0_i32_2 = arith.constant 0 : i32
    return %c0_i32, %c0_i32_0, %c0_i32_1 : i32, i32, i32
  }
  func.func @transform_6(%arg0: i32) -> (i32, i32, i32) {
    %c0_i32 = arith.constant 0 : i32
    %c0_i32_0 = arith.constant 0 : i32
    %c0_i32_1 = arith.constant 0 : i32
    %c0_i32_2 = arith.constant 0 : i32
    return %c0_i32, %c0_i32_0, %c0_i32_1 : i32, i32, i32
  }
  func.func @transform_7(%arg0: i32) -> (i32, i32, i32) {
    %c0_i32 = arith.constant 0 : i32
    %c0_i32_0 = arith.constant 0 : i32
    %c0_i32_1 = arith.constant 0 : i32
    %c0_i32_2 = arith.constant 0 : i32
    return %c0_i32, %c0_i32_0, %c0_i32_1 : i32, i32, i32
  }
  func.func @transform_8(%arg0: i32) -> (i32, i32, i32) {
    %c0_i32 = arith.constant 0 : i32
    %c0_i32_0 = arith.constant 0 : i32
    %c0_i32_1 = arith.constant 0 : i32
    %c0_i32_2 = arith.constant 0 : i32
    return %c0_i32, %c0_i32_0, %c0_i32_1 : i32, i32, i32
  }
  func.func @transform_9(%arg0: i32) -> (i32, i32) {
    %c0_i32 = arith.constant 0 : i32
    %c0_i32_0 = arith.constant 0 : i32
    return %c0_i32, %arg0 : i32, i32
  }
  func.func @transform_10(%arg0: i32) -> (i32, i32, i32) {
    %c0_i32 = arith.constant 0 : i32
    %c0_i32_0 = arith.constant 0 : i32
    %c0_i32_1 = arith.constant 0 : i32
    %c0_i32_2 = arith.constant 0 : i32
    return %c0_i32, %c0_i32_0, %c0_i32_1 : i32, i32, i32
  }
  func.func @transform_11(%arg0: i32) -> (i32, i32) {
    %c0_i32 = arith.constant 0 : i32
    %c0_i32_0 = arith.constant 0 : i32
    %c0_i32_1 = arith.constant 0 : i32
    return %c0_i32, %c0_i32_0 : i32, i32
  }
  func.func @transform_12(%arg0: i32) -> (i32, i32) {
    %c0_i32 = arith.constant 0 : i32
    %c0_i32_0 = arith.constant 0 : i32
    %c0_i32_1 = arith.constant 0 : i32
    return %c0_i32, %c0_i32_0 : i32, i32
  }
}

module attributes {stable_mosaic.version = 14 : i64} {
  func.func @_combine_body(%arg0: memref<32x8x128xf32, #tpu.memory_space<vmem>>, %arg1: memref<8x8xf32, #tpu.memory_space<vmem>>, %arg2: memref<1x128xf32, #tpu.memory_space<vmem>>, %arg3: memref<1x1xf32, #tpu.memory_space<vmem>>) attributes {dimension_semantics = [], scalar_prefetch = 0 : i64, scratch_operands = 0 : i64, tpu.core_type = #tpu.core_type<tc>} {
    %get3A = arith.constant 0 : index
    %get3A_0 = arith.constant 0 : index
    %get3A_1 = arith.constant 0 : index
    %get3A_2 = vector.load %arg0[%get3A, %get3A_0, %get3A_1] : memref<32x8x128xf32, #tpu.memory_space<vmem>>, vector<32x8x128xf32>
    %reduce_sum3A = arith.constant dense<0.000000e+00> : vector<8x128xf32>
    %reduce_sum3A_3 = vector.multi_reduction <add>, %get3A_2, %reduce_sum3A [0] : vector<32x8x128xf32> to vector<8x128xf32>
    %iota3A = tpu.iota {dimensions = array<i32: 0>} : vector<128x8xi32>
    %jit3A = arith.constant 16 : i32
    %div3A = vector.broadcast %jit3A : i32 to vector<128x8xi32>
    %div3A_4 = arith.divsi %iota3A, %div3A : vector<128x8xi32>
    %sign3A = arith.constant 0 : i32
    %sign3A_5 = vector.broadcast %sign3A : i32 to vector<128x8xi32>
    %sign3A_6 = arith.cmpi sgt, %iota3A, %sign3A_5 : vector<128x8xi32>
    %sign3A_7 = arith.extui %sign3A_6 : vector<128x8xi1> to vector<128x8xi32>
    %sign3A_8 = arith.constant 0 : i32
    %sign3A_9 = vector.broadcast %sign3A_8 : i32 to vector<128x8xi32>
    %sign3A_10 = arith.cmpi slt, %iota3A, %sign3A_9 : vector<128x8xi32>
    %sign3A_11 = arith.extui %sign3A_10 : vector<128x8xi1> to vector<128x8xi32>
    %sign3A_12 = arith.subi %sign3A_7, %sign3A_11 : vector<128x8xi32>
    %sign3A_13 = arith.constant 0 : i32
    %sign3A_14 = arith.cmpi sgt, %jit3A, %sign3A_13 : i32
    %sign3A_15 = arith.extui %sign3A_14 : i1 to i32
    %sign3A_16 = arith.constant 0 : i32
    %sign3A_17 = arith.cmpi slt, %jit3A, %sign3A_16 : i32
    %sign3A_18 = arith.extui %sign3A_17 : i1 to i32
    %sign3A_19 = arith.subi %sign3A_15, %sign3A_18 : i32
    %ne3A = vector.broadcast %sign3A_19 : i32 to vector<128x8xi32>
    %ne3A_20 = arith.cmpi ne, %sign3A_12, %ne3A : vector<128x8xi32>
    %rem3A = vector.broadcast %jit3A : i32 to vector<128x8xi32>
    %rem3A_21 = arith.remsi %iota3A, %rem3A : vector<128x8xi32>
    %ne3A_22 = arith.constant 0 : i32
    %ne3A_23 = vector.broadcast %ne3A_22 : i32 to vector<128x8xi32>
    %ne3A_24 = arith.cmpi ne, %rem3A_21, %ne3A_23 : vector<128x8xi32>
    %and3A = arith.andi %ne3A_20, %ne3A_24 : vector<128x8xi1>
    %sub3A = arith.constant 1 : i32
    %sub3A_25 = vector.broadcast %sub3A : i32 to vector<128x8xi32>
    %sub3A_26 = arith.subi %div3A_4, %sub3A_25 : vector<128x8xi32>
    %select_n3A = arith.select %and3A, %sub3A_26, %div3A_4 : vector<128x8xi1>, vector<128x8xi32>
    %iota3A_27 = tpu.iota {dimensions = array<i32: 1>} : vector<128x8xi32>
    %eq3A = arith.cmpi eq, %select_n3A, %iota3A_27 : vector<128x8xi32>
    %convert_element_type3A = arith.extui %eq3A : vector<128x8xi1> to vector<128x8xi32>
    %convert_element_type3A_28 = arith.sitofp %convert_element_type3A : vector<128x8xi32> to vector<128x8xf32>
    %dot_general3A = arith.constant dense<0.000000e+00> : vector<8x8xf32>
    %dot_general3A_29 = tpu.matmul %reduce_sum3A_3, %convert_element_type3A_28, %dot_general3A {dimension_numbers = #tpu.dot_dimension_numbers<[1], [0], [0], [1], [0, 0, 1, 1], [], []>, transpose_lhs_hint = false} : vector<8x128xf32>, vector<128x8xf32>, vector<8x8xf32> -> vector<8x8xf32>
    %get3A_30 = arith.constant 0 : index
    %get3A_31 = arith.constant 0 : index
    %get3A_32 = vector.load %arg1[%get3A_30, %get3A_31] : memref<8x8xf32, #tpu.memory_space<vmem>>, vector<8x8xf32>
    %add3A = arith.addf %get3A_32, %dot_general3A_29 : vector<8x8xf32>
    %iota3A_33 = tpu.iota {dimensions = array<i32: 0>} : vector<8x8xi32>
    %iota3A_34 = tpu.iota {dimensions = array<i32: 1>} : vector<8x8xi32>
    %eq3A_35 = arith.cmpi eq, %iota3A_33, %iota3A_34 : vector<8x8xi32>
    %convert_element_type3A_36 = arith.extui %eq3A_35 : vector<8x8xi1> to vector<8x8xi32>
    %convert_element_type3A_37 = arith.sitofp %convert_element_type3A_36 : vector<8x8xi32> to vector<8x8xf32>
    %mul3A = arith.mulf %add3A, %convert_element_type3A_37 : vector<8x8xf32>
    %reduce_sum3A_38 = arith.constant dense<0.000000e+00> : vector<8xf32>
    %reduce_sum3A_39 = vector.multi_reduction <add>, %mul3A, %reduce_sum3A_38 [0] : vector<8x8xf32> to vector<8xf32>
    %broadcast_in_dim3A = vector.shape_cast %reduce_sum3A_39 : vector<8xf32> to vector<1x8xf32>
    %sqrt3A = math.sqrt %broadcast_in_dim3A : vector<1x8xf32>
    %max3A = arith.constant 9.99999996E-13 : f32
    %max3A_40 = vector.broadcast %max3A : f32 to vector<1x8xf32>
    %max3A_41 = arith.maximumf %sqrt3A, %max3A_40 : vector<1x8xf32>
    %div3A_42 = arith.constant 1.000000e+00 : f32
    %div3A_43 = vector.broadcast %div3A_42 : f32 to vector<1x8xf32>
    %div3A_44 = arith.divf %div3A_43, %max3A_41 : vector<1x8xf32>
    %mul3A_45 = vector.broadcast %div3A_44 : vector<1x8xf32> to vector<8x8xf32>
    %mul3A_46 = arith.mulf %convert_element_type3A_37, %mul3A_45 : vector<8x8xf32>
    %reduce_sum3A_47 = arith.constant dense<0.000000e+00> : vector<8xf32>
    %reduce_sum3A_48 = vector.multi_reduction <add>, %mul3A_46, %reduce_sum3A_47 [1] : vector<8x8xf32> to vector<8xf32>
    %broadcast_in_dim3A_49 = vector.shape_cast %reduce_sum3A_48 : vector<8xf32> to vector<8x1xf32>
    %mul3A_50 = vector.broadcast %broadcast_in_dim3A_49 : vector<8x1xf32> to vector<8x8xf32>
    %mul3A_51 = arith.mulf %add3A, %mul3A_50 : vector<8x8xf32>
    %mul3A_52 = vector.broadcast %div3A_44 : vector<1x8xf32> to vector<8x8xf32>
    %mul3A_53 = arith.mulf %mul3A_51, %mul3A_52 : vector<8x8xf32>
    %reduce_sum3A_54 = vector.shape_cast %mul3A_53 : vector<8x8xf32> to vector<1x8x8xf32>
    %reduce_sum3A_55 = arith.constant dense<0.000000e+00> : vector<1xf32>
    %reduce_sum3A_56 = vector.multi_reduction <add>, %reduce_sum3A_54, %reduce_sum3A_55 [1, 2] : vector<1x8x8xf32> to vector<1xf32>
    %reduce_sum3A_57 = vector.shape_cast %reduce_sum3A_56 : vector<1xf32> to vector<1x1x1xf32>
    %reduce_sum3A_58 = vector.extract %reduce_sum3A_57[0, 0, 0] : f32 from vector<1x1x1xf32>
    %mul3A_59 = arith.mulf %mul3A_53, %convert_element_type3A_37 : vector<8x8xf32>
    %reduce_sum3A_60 = vector.shape_cast %mul3A_59 : vector<8x8xf32> to vector<1x8x8xf32>
    %reduce_sum3A_61 = arith.constant dense<0.000000e+00> : vector<1xf32>
    %reduce_sum3A_62 = vector.multi_reduction <add>, %reduce_sum3A_60, %reduce_sum3A_61 [1, 2] : vector<1x8x8xf32> to vector<1xf32>
    %reduce_sum3A_63 = vector.shape_cast %reduce_sum3A_62 : vector<1xf32> to vector<1x1x1xf32>
    %reduce_sum3A_64 = vector.extract %reduce_sum3A_63[0, 0, 0] : f32 from vector<1x1x1xf32>
    %sub3A_65 = arith.subf %reduce_sum3A_58, %reduce_sum3A_64 : f32
    %div3A_66 = arith.constant 5.600000e+01 : f32
    %div3A_67 = arith.divf %sub3A_65, %div3A_66 : f32
    %get3A_68 = arith.constant 0 : index
    %get3A_69 = arith.constant 1 : index
    %get3A_70 = vector.load %arg2[%get3A_68, %get3A_69] : memref<1x128xf32, #tpu.memory_space<vmem>>, vector<1x1xf32>
    %add3A_71 = vector.broadcast %div3A_67 : f32 to vector<1x1xf32>
    %add3A_72 = arith.addf %get3A_70, %add3A_71 : vector<1x1xf32>
    %div3A_73 = arith.constant 2.000000e+00 : f32
    %div3A_74 = vector.broadcast %div3A_73 : f32 to vector<1x1xf32>
    %div3A_75 = arith.divf %add3A_72, %div3A_74 : vector<1x1xf32>
    %get3A_76 = arith.constant 0 : index
    %get3A_77 = arith.constant 0 : index
    %get3A_78 = vector.load %arg2[%get3A_76, %get3A_77] : memref<1x128xf32, #tpu.memory_space<vmem>>, vector<1x1xf32>
    %mul3A_79 = arith.constant 1.000000e-01 : f32
    %mul3A_80 = vector.broadcast %mul3A_79 : f32 to vector<1x1xf32>
    %mul3A_81 = arith.mulf %mul3A_80, %div3A_75 : vector<1x1xf32>
    %add3A_82 = arith.addf %get3A_78, %mul3A_81 : vector<1x1xf32>
    %swap3A = arith.constant 0 : index
    %swap3A_83 = arith.constant 0 : index
    %swap3A_84 = vector.load %arg3[%swap3A, %swap3A_83] : memref<1x1xf32, #tpu.memory_space<vmem>>, vector<1x1xf32>
    tpu.vector_store %arg3[%swap3A, %swap3A_83], %add3A_82 {strides = array<i32>} : memref<1x1xf32, #tpu.memory_space<vmem>>, vector<1x1xf32>,
    return
  }
}

</mosaic_0001>

<sc_bundles>
// kernel: kernel.5.cloned.1.call-start
scs
__scs_entry_jumppad:
0x0: {  	(pc) =	sbr.rel $0x88, $3  }
0x1: {  	(tag) =	ssettag $0x0;
	lr =	simm.s32 $0x1  }
0x2: {  	[smem:$0x3F98] =	sst lr;
	_ =	strace $0xD0000000  }
0x3: {  	_ = 	snop  }
0x4: {  	_ = 	snop  }
0x5: {  	_ = 	snop  }
0x6: {  	_ = 	snop  }
0x7: {  	_ = 	snop  }
__scs_overlays_trampoline_lowered:
0x8: {  	[smem:$0x3FA7] =	sst s0  }
0x9: {  	[smem:$0x3FA8] =	sst s1  }
0xa: {  	[smem:$0x3FA9] =	sst s2  }
0xb: {  	[smem:$0x3FAA] =	sst s3  }
0xc: {  	[smem:$0x3FAB] =	sst s4  }
0xd: {  	[smem:$0x3FAC] =	sst s5  }
0xe: {  	[smem:$0x3FAD] =	sst s6  }
0xf: {  	[smem:$0x3FAE] =	sst s7  }
0x10: {  	[smem:$0x3FAF] =	sst s8  }
0x11: {  	[smem:$0x3FB0] =	sst s9;
	s0 =	simm.s32 @!p0 $0x0  }
0x12: {  	s1 =	sld [smem:$0x3F96];
	s0 =	simm.s32 @p0 $0x1  }
0x13: {  	[smem:$0x3FB1] =	sst s0;
	s0 =	simm.s32 @!p1 $0x0  }
0x14: {  	s2 =	sld [smem:$0x3F95];
	s0 =	simm.s32 @p1 $0x1  }
0x15: {  	[smem:$0x3FB2] =	sst s0;
	s0 =	simm.s32 @!p2 $0x0  }
0x16: {  	s3 =	sld [smem:$0x3FDB];
	s0 =	simm.s32 @p2 $0x1  }
0x17: {  	s4 =	simm.s32 $0x1BF5;
	[smem:$0x3FB4] =	sst s0  }
0x18: {  	s0 =	sld [smem:$0x3F97];
	_ =	swait.ge [sflag:s4], $0x0  }
0x19: {  	s7 =	sld [smem:$0x3F98]  }
0x1a: {  	s8 =	sadd.s32 $0xFFFFE003, lr  }
0x1b: {  	s9 =	sadd.s32 $0xFFFFFEF7, lr;
	s5 =	simm.s32 $0xFFFFFFFF;
	p2 =	slt.u32 s8, $0xFFFFF086  }
0x1c: {  	p1 =	slt.u32 s9, $0xF7A;
	s5 =	simm.s32 @!p2 $0x0  }
0x1d: {  	s5 =	simm.s32 @p1 $0x1;
	p0 =	seq.s32 s7, s2  }
0x1e: {  	s7 =	smul.u32 @!p0 $0xF7A, s2;
	p2 =	seq.s32 @!p0 s5, $0x0  }
0x1f: {  	s9 =	smul.u32 $0xF7A, s1;
	s8 =	simm.s32 @!p0 $0x1BF5;
	p2 =	por !p2, p0  }
0x20: {  	[sflag:s8] =	ssyncset.s32 @!p0 $0xFFFFF086;
	s6 =	sadd.s32 @!p0 s3, s7;
	s7 =	simm.s32 @!p0 $0x108  }
0x21: {  	s3 =	sadd.s32 s3, s9;
	s6 =	sadd.s32 @!p0 $0x88, s6;
	s7 =	simm.s32 @p2 $0x1082  }
0x22: {  	[simem:s7], [sflag:s8] =	dma.local @!p0 [hbm:s6], $0xF7A  }
0x23: {  	s9 =	sor.u32 $0xD0000000, s2;
	s6 =	simm.s32 $0x108;
	_ =	swait.ge @!p0 [sflag:s8], $0x0  }
0x24: {  	s3 =	sadd.s32 $0x88, s3;
	s6 =	simm.s32 @!p1 $0x1082;
	[sflag:s4] =	ssyncset.s32 $0xFFFFF086  }
0x25: {  	[simem:s6], [sflag:s4] =	dma.local [hbm:s3], $0xF7A  }
0x26: {  	[smem:$0x3F98] =	sst s1;
	(tag) =	ssettag s2;
	_ =	strace s9  }
0x27: {  	s1 =	sld [smem:$0x3FA8]  }
0x28: {  	s2 =	sld [smem:$0x3FA9]  }
0x29: {  	s4 =	sld [smem:$0x3FAB]  }
0x2a: {  	p0 =	seq.s32 s5, $0x0;
	s5 =	sld [smem:$0x3FAC]  }
0x2b: {  	s6 =	sld [smem:$0x3FAD]  }
0x2c: {  	s7 =	sld [smem:$0x3FAE]  }
0x2d: {  	s3 =	simm.s32 $0x108;
	s8 =	sld [smem:$0x3FAF]  }
0x2e: {  	s3 =	simm.s32 @!p0 $0x1082;
	s9 =	sld [smem:$0x3FB0]  }
0x2f: {  	lr =	sadd.s32 s0, s3;
	s0 =	sld [smem:$0x3FA7]  }
0x30: {  	s3 =	sld [smem:$0x3FAA]  }
0x31: {  	[smem:$0x3FB3] =	sst s10  }
0x32: {  	s10 =	sld [smem:$0x3FB1];
	_ =	sdelay $0x3  }
0x33: {  	p0 =	seq.s32 s10, $0x1;
	s10 =	sld [smem:$0x3FB3];
	_ =	sdelay $0x3  }
0x34: {  	[smem:$0x3FB3] =	sst s10  }
0x35: {  	s10 =	sld [smem:$0x3FB2];
	_ =	sdelay $0x3  }
0x36: {  	p1 =	seq.s32 s10, $0x1;
	s10 =	sld [smem:$0x3FB3];
	_ =	sdelay $0x3  }
0x37: {  	[smem:$0x3FB3] =	sst s10  }
0x38: {  	s10 =	sld [smem:$0x3FB4]  }
0x39: {  	_ = 	snop;
	(pc) =	sbr.ind lr, $3  }
0x3a: {  	_ = 	snop  }
0x3b: {  	_ = 	snop  }
0x3c: {  	p2 =	seq.s32 s10, $0x1;
	s10 =	sld [smem:$0x3FB3]  }
0x3d: {  	_ =	shalt  }
0x3e: {  	_ =	shalt  }
0x3f: {  	_ =	shalt  }
0x40: {  	_ =	shalt  }
0x41: {  	_ =	shalt  }
0x42: {  	_ =	shalt  }
0x43: {  	_ =	shalt  }
0x44: {  	_ =	shalt  }
0x45: {  	_ =	shalt  }
0x46: {  	_ =	shalt  }
0x47: {  	_ =	shalt  }
0x48: {  	_ =	shalt  }
0x49: {  	_ =	shalt  }
0x4a: {  	_ =	shalt  }
0x4b: {  	_ =	shalt  }
0x4c: {  	_ =	shalt  }
0x4d: {  	_ =	shalt  }
0x4e: {  	_ =	shalt  }
0x4f: {  	_ =	shalt  }
0x50: {  	_ =	shalt  }
0x51: {  	_ =	shalt  }
0x52: {  	_ =	shalt  }
0x53: {  	_ =	shalt  }
0x54: {  	_ =	shalt  }
0x55: {  	_ =	shalt  }
0x56: {  	_ =	shalt  }
0x57: {  	_ =	shalt  }
0x58: {  	_ =	shalt  }
0x59: {  	_ =	shalt  }
0x5a: {  	_ =	shalt  }
0x5b: {  	_ =	shalt  }
0x5c: {  	_ =	shalt  }
0x5d: {  	_ =	shalt  }
0x5e: {  	_ =	shalt  }
0x5f: {  	_ =	shalt  }
0x60: {  	_ =	shalt  }
0x61: {  	_ =	shalt  }
0x62: {  	_ =	shalt  }
0x63: {  	_ =	shalt  }
0x64: {  	_ =	shalt  }
0x65: {  	_ =	shalt  }
0x66: {  	_ =	shalt  }
0x67: {  	_ =	shalt  }
0x68: {  	_ =	shalt  }
0x69: {  	_ =	shalt  }
0x6a: {  	_ =	shalt  }
0x6b: {  	_ =	shalt  }
0x6c: {  	_ =	shalt  }
0x6d: {  	_ =	shalt  }
0x6e: {  	_ =	shalt  }
0x6f: {  	_ =	shalt  }
0x70: {  	_ =	shalt  }
0x71: {  	_ =	shalt  }
0x72: {  	_ =	shalt  }
0x73: {  	_ =	shalt  }
0x74: {  	_ =	shalt  }
0x75: {  	_ =	shalt  }
0x76: {  	_ =	shalt  }
0x77: {  	_ =	shalt  }
0x78: {  	_ =	shalt  }
0x79: {  	_ =	shalt  }
0x7a: {  	_ =	shalt  }
0x7b: {  	_ =	shalt  }
0x7c: {  	_ =	shalt  }
0x7d: {  	_ =	shalt  }
0x7e: {  	_ =	shalt  }
0x7f: {  	_ =	shalt  }
0x80: {  	_ =	shalt  }
0x81: {  	_ =	shalt  }
0x82: {  	_ =	shalt  }
0x83: {  	_ =	shalt  }
0x84: {  	_ =	shalt  }
0x85: {  	_ =	shalt  }
0x86: {  	_ =	shalt  }
0x87: {  	_ =	shalt  }
.Lfunc_end0:
.L_simem_size_0:
called_computation_lowered:
.L_overlay_start_0:
0x88: {  	s2 =	sld [smem:$0x3FD9]  }
0x89: {  	s3 =	sld [smem:$0x3FFE];
	_ =	sdelay $0x1  }
0x8a: {  	s1 =	srdreg.scid  }
0x8b: {  	s0 =	sand.u32 $0x1, s1  }
0x8c: {  	s17 =	sshll.u32 s0, $0xA;
	s2 =	sadd.s32 s3, s2  }
0x8d: {  	s2 =	sadd.s32 s2, s17  }
0x8e: {  	[smem:$0x3FBF] =	sst s2  }
0x8f: {  	_ = 	snop  }
0x90: {  	s2 =	sld [smem:$0x3FC6];
	(tm) =	ssettm $0x1  }
0x91: {  	s18 =	sld [smem:$0x3FFB];
	_ =	sdelay $0x3  }
0x92: {  	_ =	strace s18  }
0x93: {  	s3 =	sld [smem:$0x3FFC];
	_ =	sdelay $0x3  }
0x94: {  	_ =	strace s3  }
0x95: {  	s3 =	sld [smem:$0x3FFD];
	_ =	sdelay $0x3  }
0x96: {  	_ =	strace s3  }
0x97: {  	_ =	strace $0x8FFFFFFF  }
0x98: {  	s19 =	sld [smem:$0x3FDB];
	_ =	sdelay $0x1  }
0x99: {  	s4 =	simm.s32 $_scs_section_size  }
0x9a: {  	s5 =	simm.s32 $_size__tile_overlayer_lowered;
	s6 =	simm.s32 $_tile_overlayer_lowered  }
0x9b: {  	s22 =	simm.s32 $0x1BFF;
	s21 =	sshll.u32 s6, $0x1;
	s3 =	sadd.s32 s4, s19  }
0x9c: {  	s7 =	simm.s32 $0x0;
	s20 =	sshll.u32 s5, $0x1;
	s5 =	sadd.s32 s21, s3  }
0x9d: {  	[timem:s7], [sflag:s22] =	dma.local [hbm:s5], s20  }
0x9e: {  	_ =	swait.ge [sflag:s22], s20  }
0x9f: {  	s4 =	ssub.s32 $0x0, s20;
	[sflag:s22] =	ssyncset.done $0x0  }
0xa0: {  	[sflag:s22] =	ssyncadd.s32 s4;
	_ =	sdelay $0x1  }
0xa1: {  	s23 =	simm.s32 $0x1B8B  }
0xa2: {  	_ =	swait.ge [sflag:s23], $0x1  }
0xa3: {  	[sflag:s23] =	ssyncset.done $0x0  }
0xa4: {  	s25 =	simm.s32 $0x1B8E;
	s24 =	sld [smem:$0x3FFE];
	[sflag:s23] =	ssyncadd.s32 $0xFFFFFFFF  }
0xa5: {  	s26 =	simm.s32 $execute0_lowered;
	[smem:$0x3FD2] =	sst s25  }
0xa6: {  	s5 =	sshll.u32 s26, $0x1;
	_ =	strace $0x80000046;
	[dreg:$0x1] =	wrdreg $0xFFFFFFFF  }
0xa7: {  	s28 =	simm.s32 $_size_execute0_lowered;
	s3 =	sadd.s32 s3, s5;
	[dreg:$0x0] =	wrdreg $0x0  }
0xa8: {  	s5 =	sshll.u32 s28, $0x1;
	[dreg:$0x2] =	wrdreg s3  }
0xa9: {  	[dreg:$0x3] =	wrdreg s5  }
0xaa: {  	[dreg:$0x4] =	wrdreg $0xC0  }
0xab: {  	_ =	task [dreg:s7], $0x5FFFF  }
0xac: {  	[dreg:$0x1] =	wrdreg $0xFFFFFFFF  }
0xad: {  	[dreg:$0x0] =	wrdreg $0x60  }
0xae: {  	[dreg:$0x2] =	wrdreg s2  }
0xaf: {  	[dreg:$0x3] =	wrdreg s24  }
0xb0: {  	[dreg:$0x4] =	wrdreg $0x9  }
0xb1: {  	_ =	task.clear_ibuf [dreg:s7], $0x5FFFF;
	_ =	strace $0x90000046  }
0xb2: {  	s29 =	simm.s32 $0x9;
	_ =	strace $0x80000048  }
0xb3: {  	_ =	swait.ge [sflag:s29], $0x1  }
0xb4: {  	[sflag:s29] =	ssyncadd.s32 $0xFFFFFFFF  }
0xb5: {  	_ =	strace $0x90000048  }
0xb6: {  	_ =	sfence  }
0xb7: {  	s30 =	sld [smem:$0x0];
	_ =	sdelay $0x2  }
0xb8: {  	s31 =	sshll.u32 s1, $0xD;
	s1 =	sshrl.u32 s1, $0x2  }
0xb9: {  	s3 =	sand.u32 $0x4000, s31;
	s1 =	sadd.s32 s1, s30  }
0xba: {  	s0 =	sor.u32 s3, s0;
	s1 =	sshll.u32 s1, $0x11  }
0xbb: {  	s0 =	sor.u32 s1, s0  }
0xbc: {  	s0 =	sadd.s32 $0x8F2B, s0  }
0xbd: {  	[sflag:s0] =	ssyncadd.remote.s32 $0x1  }
0xbe: {  	_ =	sfence.sel $0xFFFF  }
0xbf: {  	[dreg:$0x0] =	wrdreg $0xFFFFFFFF;
	(pc) =	sbr.abs _section_cstart, $3  }
0xc0: {  	[dreg:$0x1] =	wrdreg $0xFFFFFFFF  }
0xc1: {  	_ =	task.clear_ibuf [dreg:s7], $0x2FFFF;
	_ =	strace $0x9FFFFFFF  }
0xc2: {  	(tm) =	ssettm $0x7FFFFFFF  }
0xc3: {  	_ =	shalt  }
tec
execute0_lowered:
.L_overlay_start_1:
0x0: {  	(tag) =	ssettag $0x1  }
0x1: {  	s3 =	rddreg [dreg:$0x0];
	s1 =	srdreg.scid  }
0x2: {  	s0 =	stileid.u32;
	s4 =	rddreg [dreg:$0x1]  }
0x3: {  	s2 =	simm.s32 $0x0;
	s5 =	sand.u32 $0x1, s1;
	s1 =	rddreg [dreg:$0x2]  }
0x4: {  	s9 =	simm.s32 $0x0;
	s6 =	sshll.u32 s0, $0x1;
	[smem:$0x7FF] =	sst s2  }
0x5: {  	s6 =	sor.u32 s5, s6;
	_ =	strace $0x80000047;
	s5 =	ssub.s32 $0x2, s5  }
0x6: {  	s7 =	smul.u32 $0x3E80, s6;
	s6 =	sshll.u32 s6, $0x7;
	s8 =	sshrl.u32 s5, $0x1  }
0x7: {  	s4 =	sadd.s32 s6, s4;
	s5 =	ssub.s32 s5, s8;
	s6 =	simm.s32 $0x1  }
0x8: {  	s8 =	simm.s32 $0x2;
	s3 =	sadd.s32 s7, s3;
	s4 =	sadd.s32 $0x1000, s4  }
0x9: {  	s5 =	smax.u32 s5, $0x1;
	s7 =	simm.s32 $0x6400;
	s3 =	sadd.s32 $0x109A00, s3  }
.LBB2_1:
0xa: {  	v0 =	vimm.f32 $0.0e+00;
	v1 =	vimm.f32 $0.0e+00;
	v2 =	vimm.f32 $0.0e+00  }
0xb: {  	v3 =	vimm.f32 $0.0e+00;
	v4 =	vimm.f32 $0.0e+00;
	v5 =	vimm.f32 $0.0e+00  }
0xc: {  	v6 =	vimm.f32 $0.0e+00;
	v7 =	vimm.f32 $0.0e+00;
	v8 =	vimm.f32 $0.0e+00  }
0xd: {  	v9 =	vimm.f32 $0.0e+00;
	v10 =	vimm.f32 $0.0e+00;
	v11 =	vimm.f32 $0.0e+00  }
0xe: {  	v12 =	vimm.f32 $0.0e+00;
	v13 =	vimm.f32 $0.0e+00;
	v14 =	vimm.f32 $0.0e+00  }
0xf: {  	v15 =	vimm.f32 $0.0e+00;
	v16 =	vimm.f32 $0.0e+00;
	v17 =	vimm.f32 $0.0e+00  }
0x10: {  	v18 =	vimm.f32 $0.0e+00;
	v19 =	vimm.f32 $0.0e+00;
	v20 =	vimm.f32 $0.0e+00  }
0x11: {  	v21 =	vimm.f32 $0.0e+00;
	v22 =	vimm.f32 $0.0e+00;
	v23 =	vimm.f32 $0.0e+00  }
0x12: {  	v24 =	vimm.f32 $0.0e+00;
	v25 =	vimm.f32 $0.0e+00;
	v26 =	vimm.f32 $0.0e+00  }
0x13: {  	v27 =	vimm.f32 $0.0e+00;
	v28 =	vimm.f32 $0.0e+00;
	v29 =	vimm.f32 $0.0e+00  }
0x14: {  	v30 =	vimm.f32 $0.0e+00;
	v31 =	vimm.f32 $0.0e+00;
	v32 =	vimm.f32 $0.0e+00  }
0x15: {  	v33 =	vimm.f32 $0.0e+00;
	v34 =	vimm.f32 $0.0e+00;
	v35 =	vimm.f32 $0.0e+00;
	s10 =	simm.s32 $0x0  }
.LBB2_2:
0x16: {  	s11 =	smul.u32 $0xC80, s10;
	_ =	sdelay $0x1  }
0x17: {  	s12 =	sadd.s32 s11, s3;
	s11 =	simm.s32 $0x0  }
0x18: {  	[tilespmem:s11], [sflag:$0x1] =	stream.linear.gather [hbm4b:s12+s11], $0x6400, $0x38;
	[tilespmem:$0x6800] =	vst v63  }
0x19: {  	_ =	swait.ge [sflag:s6], $0x6400  }
0x1a: {  	s30 =	sand.u32 $0x70, s11;
	s13 =	sand.u32 $0x7C00, s11;
	[sflag:s6] =	ssyncset.done $0x0  }
0x1b: {  	s12 =	sor.u32 s30, s13;
	[sflag:s6] =	ssyncadd.s32 $0xFFFF9C00  }
0x1c: {  	v40 =	vld [tilespmem:s12+$0x280]  }
0x1d: {  	v36 =	vld [tilespmem:s12+$0x300]  }
0x1e: {  	v43 =	vld [tilespmem:s12+$0x200]  }
0x1f: {  	s31 =	sand.u32 $0x7, s11;
	v42 =	vld [tilespmem:s12+$0x180]  }
0x20: {  	s13 =	sshll.u32 s31, $0x4  }
0x21: {  	s13 =	sadd.s32 $0x0, s13;
	v39 =	vld [tilespmem:s12+$0x80]  }
0x22: {  	s13 =	sor.u32 $0x380, s13  }
0x23: {  	v41 =	vld [tilespmem:s13+$0x0];
	v38 =	vmul.f32 v40, v40  }
0x24: {  	v44 =	vmul.f32 v40, v43;
	v45 =	vmul.f32 v36, v42  }
0x25: {  	v46 =	vmul.f32 v36, v43;
	v47 =	vmul.f32 v36, v36  }
0x26: {  	v37 =	vld [tilespmem:s12+$0x100];
	v59 =	vmul.f32 v43, v43;
	v48 =	vmul.f32 v40, v39  }
0x27: {  	v49 =	vmul.f32 v36, v40;
	v60 =	vmul.f32 v43, v42  }
0x28: {  	v50 =	vmul.f32 v41, v41;
	v61 =	vmul.f32 v40, v42  }
0x29: {  	v51 =	vmul.f32 v39, v39;
	v5 =	vadd.f32 v38, v5;
	v8 =	vadd.f32 v44, v8;
	v38 =	vld [tilespmem:s12+$0x0]  }
0x2a: {  	v11 =	vadd.f32 v45, v11;
	v7 =	vadd.f32 v46, v7;
	v45 =	vmul.f32 v42, v42  }
0x2b: {  	v9 =	vadd.f32 v59, v9;
	v23 =	vadd.f32 v48, v23;
	v46 =	vmul.f32 v36, v37  }
0x2c: {  	v2 =	vadd.f32 v47, v2;
	v44 =	vmul.f32 v41, v36;
	v13 =	vadd.f32 v60, v13  }
0x2d: {  	v0 =	vadd.f32 v50, v0;
	v4 =	vadd.f32 v49, v4;
	v50 =	vmul.f32 v37, v39  }
0x2e: {  	v12 =	vadd.f32 v61, v12;
	v62 =	vmul.f32 v42, v38;
	v63 =	vmul.f32 v39, v38  }
0x2f: {  	v27 =	vadd.f32 v51, v27;
	v47 =	vmul.f32 v43, v39;
	v49 =	vmul.f32 v37, v37  }
0x30: {  	s13 =	simm.s32 $0x1;
	s12 =	simm.s32 $0x10;
	v48 =	vmul.f32 v40, v37;
	v32 =	vadd.f32 v62, v32;
	v34 =	vadd.f32 v63, v34  }
.LBB2_3:
0x31: {  	s14 =	sand.u32 $0x7, s13;
	p0 =	sne.s32 s12, $0xC70;
	v26 =	vadd.f32 v50, v26;
	v50 =	vmul.f32 v42, v37;
	v16 =	vadd.f32 v46, v16;
	s11 =	sadd.s32 $0x80, s11  }
0x32: {  	v46 =	vmul.f32 v42, v39;
	v51 =	vmul.f32 v43, v37;
	v14 =	vadd.f32 v45, v14;
	s15 =	smov.u32 s12;
	s12 =	sadd.s32 $0x10, s12;
	s14 =	sshll.u32 s14, $0x4  }
0x33: {  	v45 =	vmul.f32 v40, v38;
	s15 =	sand.u32 $0x70, s15;
	s16 =	sand.u32 $0x7C00, s11;
	v20 =	vadd.f32 v49, v20;
	v49 =	vmul.f32 v41, v40;
	s14 =	sadd.s32 s14, s11  }
0x34: {  	v52 =	vmul.f32 v41, v38;
	v24 =	vadd.f32 v47, v24;
	v17 =	vadd.f32 v48, v17;
	s15 =	sor.u32 s15, s16;
	s14 =	sor.u32 $0x380, s14  }
0x35: {  	v30 =	vadd.f32 v45, v30;
	v25 =	vadd.f32 v46, v25;
	v45 =	vmul.f32 v41, v39;
	v40 =	vld [tilespmem:s15+$0x280]  }
0x36: {  	v47 =	vmul.f32 v41, v43;
	v18 =	vadd.f32 v51, v18;
	v3 =	vadd.f32 v49, v3;
	v46 =	vld [tilespmem:s15+$0x300]  }
0x37: {  	v1 =	vadd.f32 v44, v1;
	v19 =	vadd.f32 v50, v19;
	v49 =	vmul.f32 v36, v38;
	v48 =	vld [tilespmem:s15+$0x200]  }
0x38: {  	v43 =	vmul.f32 v43, v38;
	v50 =	vmul.f32 v37, v38;
	v21 =	vadd.f32 v45, v21;
	v44 =	vld [tilespmem:s15+$0x180]  }
0x39: {  	v42 =	vmul.f32 v41, v42;
	v6 =	vadd.f32 v47, v6;
	v45 =	vmul.f32 v41, v37;
	v51 =	vld [tilespmem:s15+$0x80]  }
0x3a: {  	v53 =	vmul.f32 v38, v38;
	v29 =	vadd.f32 v49, v29;
	v37 =	vld [tilespmem:s15+$0x100];
	v47 =	vmul.f32 v40, v40  }
0x3b: {  	v54 =	vmul.f32 v36, v39;
	v31 =	vadd.f32 v43, v31;
	v15 =	vadd.f32 v45, v15;
	v38 =	vld [tilespmem:s15+$0x0];
	v36 =	vmovc v46  }
0x3c: {  	v10 =	vadd.f32 v42, v10;
	v41 =	vld [tilespmem:s14+$0x0];
	v45 =	vmul.f32 v40, v48;
	v5 =	vadd.f32 v47, v5;
	v43 =	vmovc v48  }
0x3d: {  	v22 =	vadd.f32 v54, v22;
	v49 =	vmul.f32 v46, v36;
	v47 =	vmul.f32 v36, v44;
	v42 =	vmovc v44  }
0x3e: {  	v35 =	vadd.f32 v53, v35;
	v8 =	vadd.f32 v45, v8;
	v45 =	vmul.f32 v36, v43;
	v39 =	vmovc v51  }
0x3f: {  	v33 =	vadd.f32 v50, v33;
	v46 =	vmul.f32 v48, v43;
	v11 =	vadd.f32 v47, v11  }
0x40: {  	v28 =	vadd.f32 v52, v28;
	v47 =	vmul.f32 v40, v39;
	v7 =	vadd.f32 v45, v7  }
0x41: {  	v48 =	vmul.f32 v36, v40;
	v9 =	vadd.f32 v46, v9;
	v45 =	vmul.f32 v44, v42  }
0x42: {  	v23 =	vadd.f32 v47, v23;
	v47 =	vmul.f32 v43, v42;
	v50 =	vmul.f32 v41, v41  }
0x43: {  	v2 =	vadd.f32 v49, v2;
	v46 =	vmul.f32 v36, v37;
	v44 =	vmul.f32 v41, v36  }
.Ltmp0:
0x44: {  	v13 =	vadd.f32 v47, v13;
	v47 =	vmul.f32 v40, v42;
	v0 =	vadd.f32 v50, v0;
	(pc) =	sbr.rel @p0 .LBB2_3-.Ltmp0, $4  }
0x45: {  	v51 =	vmul.f32 v51, v39;
	v4 =	vadd.f32 v48, v4;
	v49 =	vmul.f32 v42, v38  }
0x46: {  	v48 =	vmul.f32 v39, v38;
	v50 =	vmul.f32 v37, v39;
	v12 =	vadd.f32 v47, v12  }
0x47: {  	v27 =	vadd.f32 v51, v27;
	v32 =	vadd.f32 v49, v32;
	v47 =	vmul.f32 v43, v39  }
0x48: {  	s13 =	sadd.s32 $0x1, s13;
	v34 =	vadd.f32 v48, v34;
	v49 =	vmul.f32 v37, v37;
	v48 =	vmul.f32 v40, v37  }
0x49: {  	v26 =	vadd.f32 v50, v26;
	v62 =	vmul.f32 v42, v37;
	v63 =	vmul.f32 v42, v39  }
0x4a: {  	v16 =	vadd.f32 v46, v16;
	v51 =	vmul.f32 v43, v37;
	v52 =	vmul.f32 v40, v38  }
0x4b: {  	v14 =	vadd.f32 v45, v14;
	v53 =	vmul.f32 v41, v40;
	v54 =	vmul.f32 v41, v38  }
0x4c: {  	v24 =	vadd.f32 v47, v24;
	v55 =	vmul.f32 v41, v39;
	v56 =	vmul.f32 v41, v43  }
0x4d: {  	v57 =	vmul.f32 v36, v38;
	v1 =	vadd.f32 v44, v1;
	v20 =	vadd.f32 v49, v20  }
0x4e: {  	v58 =	vmul.f32 v43, v38;
	v17 =	vadd.f32 v48, v17;
	v30 =	vadd.f32 v52, v30  }
0x4f: {  	v59 =	vmul.f32 v41, v37;
	s10 =	sadd.s32 $0x1, s10;
	v25 =	vadd.f32 v63, v25;
	v18 =	vadd.f32 v51, v18  }
0x50: {  	v60 =	vmul.f32 v41, v42;
	p0 =	sne.s32 s10, $0x5;
	v3 =	vadd.f32 v53, v3;
	v19 =	vadd.f32 v62, v19  }
.Ltmp1:
0x51: {  	v61 =	vmul.f32 v38, v38;
	v21 =	vadd.f32 v55, v21;
	v6 =	vadd.f32 v56, v6;
	(pc) =	sbr.rel @p0 .LBB2_2-.Ltmp1, $4  }
0x52: {  	v29 =	vadd.f32 v57, v29;
	v31 =	vadd.f32 v58, v31;
	v62 =	vmul.f32 v36, v39  }
0x53: {  	v63 =	vmul.f32 v37, v38;
	v15 =	vadd.f32 v59, v15;
	v10 =	vadd.f32 v60, v10  }
0x54: {  	v35 =	vadd.f32 v61, v35;
	v28 =	vadd.f32 v54, v28  }
0x55: {  	v22 =	vadd.f32 v62, v22;
	v33 =	vadd.f32 v63, v33  }
0x56: {  	[tilespmem:$0x6400] =	vst v35  }
0x57: {  	[tilespmem:$0x6410] =	vst v34  }
0x58: {  	[tilespmem:$0x6480] =	vst v34  }
0x59: {  	[tilespmem:$0x6430] =	vst v32  }
0x5a: {  	[tilespmem:$0x6580] =	vst v32  }
0x5b: {  	[tilespmem:$0x6440] =	vst v31  }
0x5c: {  	[tilespmem:$0x6600] =	vst v31  }
0x5d: {  	[tilespmem:$0x6450] =	vst v30  }
0x5e: {  	[tilespmem:$0x6680] =	vst v30  }
0x5f: {  	[tilespmem:$0x6460] =	vst v29  }
0x60: {  	[tilespmem:$0x6700] =	vst v29  }
0x61: {  	[tilespmem:$0x6470] =	vst v28  }
0x62: {  	[tilespmem:$0x6780] =	vst v28  }
0x63: {  	[tilespmem:$0x6490] =	vst v27  }
0x64: {  	[tilespmem:$0x64A0] =	vst v26  }
0x65: {  	[tilespmem:$0x6510] =	vst v26  }
0x66: {  	[tilespmem:$0x64B0] =	vst v25  }
0x67: {  	[tilespmem:$0x6590] =	vst v25  }
0x68: {  	[tilespmem:$0x64C0] =	vst v24  }
0x69: {  	[tilespmem:$0x6610] =	vst v24  }
0x6a: {  	[tilespmem:$0x64D0] =	vst v23  }
0x6b: {  	[tilespmem:$0x6690] =	vst v23  }
0x6c: {  	[tilespmem:$0x64F0] =	vst v21  }
0x6d: {  	[tilespmem:$0x6790] =	vst v21  }
0x6e: {  	[tilespmem:$0x6520] =	vst v20  }
0x6f: {  	[tilespmem:$0x6530] =	vst v19  }
0x70: {  	[tilespmem:$0x65A0] =	vst v19  }
0x71: {  	[tilespmem:$0x6540] =	vst v18  }
0x72: {  	[tilespmem:$0x6620] =	vst v18  }
0x73: {  	[tilespmem:$0x6550] =	vst v17  }
0x74: {  	[tilespmem:$0x66A0] =	vst v17  }
0x75: {  	[tilespmem:$0x6560] =	vst v16  }
0x76: {  	[tilespmem:$0x6720] =	vst v16  }
0x77: {  	[tilespmem:$0x6570] =	vst v15  }
0x78: {  	[tilespmem:$0x67A0] =	vst v15  }
0x79: {  	[tilespmem:$0x65B0] =	vst v14  }
0x7a: {  	[tilespmem:$0x65C0] =	vst v13  }
0x7b: {  	[tilespmem:$0x6630] =	vst v13  }
0x7c: {  	[tilespmem:$0x65D0] =	vst v12  }
0x7d: {  	[tilespmem:$0x66B0] =	vst v12  }
0x7e: {  	[tilespmem:$0x65E0] =	vst v11  }
0x7f: {  	[tilespmem:$0x6730] =	vst v11  }
0x80: {  	[tilespmem:$0x65F0] =	vst v10  }
0x81: {  	[tilespmem:$0x67B0] =	vst v10  }
0x82: {  	[tilespmem:$0x6640] =	vst v9  }
0x83: {  	[tilespmem:$0x6650] =	vst v8  }
0x84: {  	[tilespmem:$0x66C0] =	vst v8  }
0x85: {  	[tilespmem:$0x6660] =	vst v7  }
0x86: {  	[tilespmem:$0x6740] =	vst v7  }
0x87: {  	[tilespmem:$0x6670] =	vst v6  }
0x88: {  	[tilespmem:$0x67C0] =	vst v6  }
0x89: {  	[tilespmem:$0x66D0] =	vst v5  }
0x8a: {  	[tilespmem:$0x66E0] =	vst v4  }
0x8b: {  	[tilespmem:$0x6750] =	vst v4  }
0x8c: {  	[tilespmem:$0x66F0] =	vst v3  }
0x8d: {  	[tilespmem:$0x67D0] =	vst v3  }
0x8e: {  	[tilespmem:$0x6760] =	vst v2  }
0x8f: {  	[tilespmem:$0x6770] =	vst v1  }
0x90: {  	[tilespmem:$0x67E0] =	vst v1  }
0x91: {  	[tilespmem:$0x67F0] =	vst v0  }
0x92: {  	[tilespmem:$0x6420] =	vst v33  }
0x93: {  	s9 =	sadd.s32 $0x1, s9;
	[tilespmem:$0x6500] =	vst v33  }
0x94: {  	[tilespmem:$0x64E0] =	vst v22;
	p0 =	sne.s32 s9, s5  }
.Ltmp2:
0x95: {  	[tilespmem:$0x6710] =	vst v22;
	(pc) =	sbr.rel @p0 .LBB2_1-.Ltmp2, $4  }
0x96: {  	[hbm4b:s4+s2] =	stream.linear.scatter [tilespmem:s7], [sflag:$0x2], $0x400, $0x38;
	[tilespmem:$0x6800] =	vst v63  }
0x97: {  	_ =	swait.ge [sflag:s8], $0x400  }
0x98: {  	[sflag:s8] =	ssyncset.done $0x0  }
0x99: {  	[sflag:s8] =	ssyncadd.s32 $0xFFFFFC00  }
0x9a: {  	_ =	sfence.sel $0x180000  }
0x9b: {  	[bflag:$0x0] =	sbarrier.arrive $0xFFFF  }
0x9c: {  	p0 =	sne.s32 s0, $0x0;
	_ =	strace $0x90000047  }
0x9d: {  	s0 =	sadd.s32 @!p0 $0x100000, s1;
	[bflag:$0x2] =	sbarrier.arrive $0xFFFF  }
0x9e: {  	[sflag:s0] =	ssyncadd.tile.s32 @!p0 $0x1;
	_ =	shalt  }
.Lfunc_end2:
_tile_overlayer_lowered:
.L_overlay_start_2:
0x9f: {  	(tag) =	ssettag $0x2  }
0xa0: {  	s0 =	rddreg [dreg:$0x0];
	s2 =	stileid.u32  }
0xa1: {  	s1 =	rddreg [dreg:$0x1];
	p0 =	sne.s32 s2, $0x0  }
0xa2: {  	s3 =	rddreg [dreg:$0x2];
	[bflag:$0x3] =	sbarrier.arrive $0xFFFF;
	s2 =	simm.s32 @!p0 $0x1C02  }
0xa3: {  	[timem:s3], [sflag:s2] =	dma.local @!p0 [hbm:s0], s1  }
0xa4: {  	s0 =	simm.s32 @!p0 $0x2  }
0xa5: {  	_ =	swait.ge @!p0 [sflag:s0], s1  }
0xa6: {  	s1 =	ssub.s32 @!p0 $0x0, s1;
	[sflag:s0] =	ssyncset.done @!p0 $0x0  }
0xa7: {  	[sflag:s0] =	ssyncadd.s32 @!p0 s1  }
0xa8: {  	[bflag:$0x3] =	sbarrier.arrive $0xFFFF  }
0xa9: {  	_ =	shalt  }

</sc_bundles>
